<compile_context>
chip_gen: v7x
topology: tpu7x:2x2x1
jax: 0.10.2.dev20260603
libtpu: 0.0.44.dev20260713+nightly
codegen_flags: <defaults>
</compile_context>

<pallas_src>
import functools

import jax
import jax.numpy as jnp
from jax import lax
from jax.experimental import pallas as pl
from jax.experimental.pallas import tpu as pltpu
from jax.experimental.pallas import tpu_sc as plsc

_NC, _NS, _LANES = 2, 16, 16


def _sc_body(L, chunk, x_hbm, uv_hbm, head, tail, ubuf, vbuf, sem1, sem2):
    cid = lax.axis_index("c")
    sid = lax.axis_index("s")
    wid = sid * _NC + cid
    bi = wid // 2
    col0 = (wid % 2) * chunk
    d1 = pltpu.async_copy(x_hbm.at[bi, pl.ds(1, 2), pl.ds(col0, chunk)], head, sem1)
    d2 = pltpu.async_copy(x_hbm.at[bi, pl.ds(L - 2, 2), pl.ds(col0, chunk)], tail, sem2)
    d1.wait()
    d2.wait()
    for i in range(chunk // _LANES):
        sl = pl.ds(i * _LANES, _LANES)
        ubuf[sl] = tail[1, sl] - head[0, sl]
        vbuf[sl] = tail[0, sl] - head[1, sl]
    pltpu.sync_copy(ubuf, uv_hbm.at[0, bi, pl.ds(col0, chunk)])
    pltpu.sync_copy(vbuf, uv_hbm.at[1, bi, pl.ds(col0, chunk)])


def _proj_body(inv, uv_ref, al_ref, w_ref, b_ref, o_ref):
    al = al_ref[...]
    e = jnp.exp(al)
    a2 = e[:, 1:2] / (e[:, 0:1] + e[:, 1:2])
    z = inv * uv_ref[0] + (inv * a2) * uv_ref[1]
    o_ref[...] = jax.lax.dot_general(
        z, w_ref[...], (((1,), (1,)), ((), ())),
        preferred_element_type=jnp.float32) + b_ref[...][None, :]


def kernel(X, attn_mask, alpha_logits, W, b):
    Bs, Ls, Ds = X.shape
    OUTs = W.shape[0]
    chunk = (Bs * Ds) // (_NC * _NS)

    mesh = plsc.VectorSubcoreMesh(core_axis_name="c", subcore_axis_name="s",
                                  num_cores=_NC, num_subcores=_NS)
    uv = pl.kernel(
        functools.partial(_sc_body, Ls, chunk),
        out_type=jax.ShapeDtypeStruct((2, Bs, Ds), jnp.float32),
        mesh=mesh,
        scratch_types=[
            pltpu.VMEM((2, chunk), jnp.float32),
            pltpu.VMEM((2, chunk), jnp.float32),
            pltpu.VMEM((chunk,), jnp.float32),
            pltpu.VMEM((chunk,), jnp.float32),
            pltpu.SemaphoreType.DMA,
            pltpu.SemaphoreType.DMA,
        ],
    )(X)

    out = pl.pallas_call(
        functools.partial(_proj_body, 1.0 / float(max(Ls - 2, 1))),
        out_shape=jax.ShapeDtypeStruct((Bs, OUTs), jnp.float32),
    )(uv, alpha_logits.astype(jnp.float32).reshape(1, 2), W, b)
    return out

# --- scband reference (transcript-rebuilt; emitter-appended) ---
"""Pipeline reference for scband-fluctuation-extractor-2413771621067 (READ-ONLY COPY).

The authoritative reference and input builder live on the scoring server;
editing this copy changes nothing except your own understanding.
"""

import jax, jax.numpy as jnp
import numpy as np

B, L, D, OUT = 16, 2048, 1024, 1024

def setup_inputs(seed: int = 0) -> dict:
    key = jax.random.key(seed)
    k1, k2 = jax.random.split(key)
    X = jax.random.normal(k1, (B, L, D), dtype=jnp.float32)
    attn_mask = jnp.ones((B, L), dtype=jnp.int64)
    alpha_logits = jnp.zeros((2,), dtype=jnp.float32)
    bound = float(np.sqrt(6.0 / (D + OUT)))
    W = jax.random.uniform(k2, (OUT, D), dtype=jnp.float32, minval=-bound, maxval=bound)
    b = jnp.zeros((OUT,), dtype=jnp.float32)
    return {"X": X, "attn_mask": attn_mask, "alpha_logits": alpha_logits, "W": W, "b": b}

def reference(X, attn_mask, alpha_logits, W, b):
    Bs, Ls, Ds = X.shape
    if Ls <= 1:
        z = jnp.mean(X, axis=1)
        return z @ W.T + b
    S = X[:, 1:, :]                      # [B, T, D], T = L-1
    T = Ls - 1
    lengths = jnp.sum(attn_mask[:, 1:], axis=1).astype(jnp.int32)  # [B]
    alpha = jax.nn.softmax(alpha_logits, axis=0)
    a1, a2 = alpha[0], alpha[1]
    diff1 = S[:, 1:, :] - S[:, :-1, :]   # [B, T-1, D]
    diff2 = S[:, 2:, :] - S[:, :-2, :]   # [B, T-2, D]
    diff2 = jnp.pad(diff2, ((0, 0), (0, 1), (0, 0)))  # pad to [B, T-1, D], matches F.pad
    j = jnp.arange(T - 1)
    m1 = (j[None, :] < (lengths - 1)[:, None]).astype(X.dtype)[:, :, None]  # valid diff1 rows
    m2 = (j[None, :] < (lengths - 2)[:, None]).astype(X.dtype)[:, :, None]  # valid diff2 rows (zeros-pad beyond, incl. tlen==2 case)
    num = a1 * jnp.sum(diff1 * m1, axis=1) + a2 * jnp.sum(diff2 * m2, axis=1)  # [B, D]
    denom = jnp.maximum(lengths - 1, 1).astype(X.dtype)[:, None]
    z = num / denom
    z = jnp.where((lengths == 1)[:, None], S[:, 0, :], z)   # tlen==1 -> mean of single row
    z = jnp.where((lengths <= 0)[:, None], jnp.zeros_like(z), z)
    return z @ W.T + b

if __name__ == "__main__":
    import jax
    _d = setup_inputs()
    print(jax.jit(kernel)(*tuple(_d.values())))

</pallas_src>

<mosaic_0001>
#map = affine_map<(d0, d1) -> (0, 0, 0)>
module attributes {stable_mosaic.version = 14 : i64} {
  func.func @_sc_body(%arg0: i32, %arg1: i32, %arg2: memref<16x2048x1024xf32, #tpu.memory_space<hbm>>, %arg3: memref<2x16x1024xf32, #tpu.memory_space<hbm>>, %arg4: memref<2x512xf32, #tpu.memory_space<vmem>>, %arg5: memref<2x512xf32, #tpu.memory_space<vmem>>, %arg6: memref<512xf32, #tpu.memory_space<vmem>>, %arg7: memref<512xf32, #tpu.memory_space<vmem>>, %arg8: memref<!tpu.dma_semaphore, #tpu.memory_space<semaphore_mem>>, %arg9: memref<!tpu.dma_semaphore, #tpu.memory_space<semaphore_mem>>) attributes {dimension_semantics = [#tpu.dimension_semantics<core_parallel>, #tpu.dimension_semantics<subcore_parallel>], iteration_bounds = array<i64: 2, 16>, scalar_prefetch = 0 : i64, scratch_operands = 6 : i64, tpu.core_type = #tpu.core_type<sc_vector_subcore>, window_params = [{transform_indices = #map}, {transform_indices = #map}]} {
    %mul3A = arith.constant 2 : i32
    %mul3A_0 = arith.muli %arg1, %mul3A : i32
    %add3A = arith.addi %mul3A_0, %arg0 : i32
    %jit3A = arith.constant 2 : i32
    %div3A = arith.divsi %add3A, %jit3A : i32
    %sign3A = arith.constant 0 : i32
    %sign3A_1 = arith.cmpi sgt, %add3A, %sign3A : i32
    %sign3A_2 = arith.extui %sign3A_1 : i1 to i32
    %sign3A_3 = arith.constant 0 : i32
    %sign3A_4 = arith.cmpi slt, %add3A, %sign3A_3 : i32
    %sign3A_5 = arith.extui %sign3A_4 : i1 to i32
    %sign3A_6 = arith.subi %sign3A_2, %sign3A_5 : i32
    %sign3A_7 = arith.constant 0 : i32
    %sign3A_8 = arith.cmpi sgt, %jit3A, %sign3A_7 : i32
    %sign3A_9 = arith.extui %sign3A_8 : i1 to i32
    %sign3A_10 = arith.constant 0 : i32
    %sign3A_11 = arith.cmpi slt, %jit3A, %sign3A_10 : i32
    %sign3A_12 = arith.extui %sign3A_11 : i1 to i32
    %sign3A_13 = arith.subi %sign3A_9, %sign3A_12 : i32
    %ne3A = arith.cmpi ne, %sign3A_6, %sign3A_13 : i32
    %rem3A = arith.remsi %add3A, %jit3A : i32
    %ne3A_14 = arith.constant 0 : i32
    %ne3A_15 = arith.cmpi ne, %rem3A, %ne3A_14 : i32
    %and3A = arith.andi %ne3A, %ne3A_15 : i1
    %sub3A = arith.constant 1 : i32
    %sub3A_16 = arith.subi %div3A, %sub3A : i32
    %select_n3A = arith.select %and3A, %sub3A_16, %div3A : i32
    %jit3A_17 = arith.constant 2 : i32
    %eq3A = arith.constant 0 : i32
    %eq3A_18 = arith.cmpi eq, %jit3A_17, %eq3A : i32
    %jit3A_19 = arith.constant 1 : i32
    %select_n3A_20 = arith.select %eq3A_18, %jit3A_19, %jit3A_17 : i32
    %rem3A_21 = arith.remsi %add3A, %select_n3A_20 : i32
    %ne3A_22 = arith.constant 0 : i32
    %ne3A_23 = arith.cmpi ne, %rem3A_21, %ne3A_22 : i32
    %lt3A = arith.constant 0 : i32
    %lt3A_24 = arith.cmpi slt, %rem3A_21, %lt3A : i32
    %lt3A_25 = arith.constant 0 : i32
    %lt3A_26 = arith.cmpi slt, %select_n3A_20, %lt3A_25 : i32
    %ne3A_27 = arith.xori %lt3A_24, %lt3A_26 : i1
    %and3A_28 = arith.andi %ne3A_27, %ne3A_23 : i1
    %add3A_29 = arith.addi %rem3A_21, %select_n3A_20 : i32
    %select_n3A_30 = arith.select %and3A_28, %add3A_29, %rem3A_21 : i32
    %mul3A_31 = arith.constant 512 : i32
    %mul3A_32 = arith.muli %select_n3A_30, %mul3A_31 : i32
    %dma_start3A = arith.constant 1 : i32
    %dma_start3A_33 = tpu.memref_slice %arg2[%select_n3A, %dma_start3A, %mul3A_32] : memref<16x2048x1024xf32, #tpu.memory_space<hbm>> -> memref<1x2x512xf32, #tpu.memory_space<hbm>>
    %dma_start3A_34 = tpu.memref_squeeze %dma_start3A_33 : memref<1x2x512xf32, #tpu.memory_space<hbm>> -> memref<2x512xf32, #tpu.memory_space<hbm>>
    %dma_start3A_35 = arith.constant 1 : i32
    %dma_start3A_36 = tpu.memref_slice %arg2[%select_n3A, %dma_start3A_35, %mul3A_32] : memref<16x2048x1024xf32, #tpu.memory_space<hbm>> -> memref<1x2x512xf32, #tpu.memory_space<hbm>>
    %dma_start3A_37 = tpu.memref_squeeze %dma_start3A_36 : memref<1x2x512xf32, #tpu.memory_space<hbm>> -> memref<2x512xf32, #tpu.memory_space<hbm>>
    tpu.enqueue_dma source(%dma_start3A_37 : memref<2x512xf32, #tpu.memory_space<hbm>>) target(%arg4 : memref<2x512xf32, #tpu.memory_space<vmem>>) target_semaphore(%arg8 : memref<!tpu.dma_semaphore, #tpu.memory_space<semaphore_mem>>)
    %dma_start3A_38 = arith.constant 2046 : i32
    %dma_start3A_39 = tpu.memref_slice %arg2[%select_n3A, %dma_start3A_38, %mul3A_32] : memref<16x2048x1024xf32, #tpu.memory_space<hbm>> -> memref<1x2x512xf32, #tpu.memory_space<hbm>>
    %dma_start3A_40 = tpu.memref_squeeze %dma_start3A_39 : memref<1x2x512xf32, #tpu.memory_space<hbm>> -> memref<2x512xf32, #tpu.memory_space<hbm>>
    %dma_start3A_41 = arith.constant 2046 : i32
    %dma_start3A_42 = tpu.memref_slice %arg2[%select_n3A, %dma_start3A_41, %mul3A_32] : memref<16x2048x1024xf32, #tpu.memory_space<hbm>> -> memref<1x2x512xf32, #tpu.memory_space<hbm>>
    %dma_start3A_43 = tpu.memref_squeeze %dma_start3A_42 : memref<1x2x512xf32, #tpu.memory_space<hbm>> -> memref<2x512xf32, #tpu.memory_space<hbm>>
    tpu.enqueue_dma source(%dma_start3A_43 : memref<2x512xf32, #tpu.memory_space<hbm>>) target(%arg5 : memref<2x512xf32, #tpu.memory_space<vmem>>) target_semaphore(%arg9 : memref<!tpu.dma_semaphore, #tpu.memory_space<semaphore_mem>>)
    %dma_wait3A = arith.constant 1 : i32
    %dma_wait3A_44 = tpu.memref_slice %arg2[%select_n3A, %dma_wait3A, %mul3A_32] : memref<16x2048x1024xf32, #tpu.memory_space<hbm>> -> memref<1x2x512xf32, #tpu.memory_space<hbm>>
    %dma_wait3A_45 = tpu.memref_squeeze %dma_wait3A_44 : memref<1x2x512xf32, #tpu.memory_space<hbm>> -> memref<2x512xf32, #tpu.memory_space<hbm>>
    %dma_wait3A_46 = arith.constant 1 : i32
    %dma_wait3A_47 = tpu.memref_slice %arg2[%select_n3A, %dma_wait3A_46, %mul3A_32] : memref<16x2048x1024xf32, #tpu.memory_space<hbm>> -> memref<1x2x512xf32, #tpu.memory_space<hbm>>
    %dma_wait3A_48 = tpu.memref_squeeze %dma_wait3A_47 : memref<1x2x512xf32, #tpu.memory_space<hbm>> -> memref<2x512xf32, #tpu.memory_space<hbm>>
    tpu.wait_dma2 semaphore(%arg8 : memref<!tpu.dma_semaphore, #tpu.memory_space<semaphore_mem>>) src(%dma_wait3A_48 : memref<2x512xf32, #tpu.memory_space<hbm>>) dst(%arg4 : memref<2x512xf32, #tpu.memory_space<vmem>>)
    %dma_wait3A_49 = arith.constant 2046 : i32
    %dma_wait3A_50 = tpu.memref_slice %arg2[%select_n3A, %dma_wait3A_49, %mul3A_32] : memref<16x2048x1024xf32, #tpu.memory_space<hbm>> -> memref<1x2x512xf32, #tpu.memory_space<hbm>>
    %dma_wait3A_51 = tpu.memref_squeeze %dma_wait3A_50 : memref<1x2x512xf32, #tpu.memory_space<hbm>> -> memref<2x512xf32, #tpu.memory_space<hbm>>
    %dma_wait3A_52 = arith.constant 2046 : i32
    %dma_wait3A_53 = tpu.memref_slice %arg2[%select_n3A, %dma_wait3A_52, %mul3A_32] : memref<16x2048x1024xf32, #tpu.memory_space<hbm>> -> memref<1x2x512xf32, #tpu.memory_space<hbm>>
    %dma_wait3A_54 = tpu.memref_squeeze %dma_wait3A_53 : memref<1x2x512xf32, #tpu.memory_space<hbm>> -> memref<2x512xf32, #tpu.memory_space<hbm>>
    tpu.wait_dma2 semaphore(%arg9 : memref<!tpu.dma_semaphore, #tpu.memory_space<semaphore_mem>>) src(%dma_wait3A_54 : memref<2x512xf32, #tpu.memory_space<hbm>>) dst(%arg5 : memref<2x512xf32, #tpu.memory_space<vmem>>)
    %get3A = arith.constant 1 : i32
    %get3A_55 = arith.index_cast %get3A : i32 to index
    %get3A_56 = arith.constant 0 : index
    %get3A_57 = tpu.vector_load %arg5[%get3A_55, %get3A_56] {strides = array<i32>} : memref<2x512xf32, #tpu.memory_space<vmem>>, vector<1x16xf32>,
    %get3A_58 = vector.shape_cast %get3A_57 : vector<1x16xf32> to vector<16xf32>
    %get3A_59 = arith.constant 0 : i32
    %get3A_60 = arith.index_cast %get3A_59 : i32 to index
    %get3A_61 = arith.constant 0 : index
    %get3A_62 = tpu.vector_load %arg4[%get3A_60, %get3A_61] {strides = array<i32>} : memref<2x512xf32, #tpu.memory_space<vmem>>, vector<1x16xf32>,
    %get3A_63 = vector.shape_cast %get3A_62 : vector<1x16xf32> to vector<16xf32>
    %sub3A_64 = arith.subf %get3A_58, %get3A_63 : vector<16xf32>
    %swap3A = arith.constant 0 : index
    %swap3A_65 = tpu.vector_load %arg6[%swap3A] {strides = array<i32>} : memref<512xf32, #tpu.memory_space<vmem>>, vector<16xf32>,
    %swap3A_66 = vector.shape_cast %swap3A_65 : vector<16xf32> to vector<16xf32>
    %swap3A_67 = vector.shape_cast %sub3A_64 : vector<16xf32> to vector<16xf32>
    tpu.vector_store %arg6[%swap3A], %swap3A_67 {strides = array<i32>} : memref<512xf32, #tpu.memory_space<vmem>>, vector<16xf32>,
    %get3A_68 = arith.constant 0 : i32
    %get3A_69 = arith.index_cast %get3A_68 : i32 to index
    %get3A_70 = arith.constant 0 : index
    %get3A_71 = tpu.vector_load %arg5[%get3A_69, %get3A_70] {strides = array<i32>} : memref<2x512xf32, #tpu.memory_space<vmem>>, vector<1x16xf32>,
    %get3A_72 = vector.shape_cast %get3A_71 : vector<1x16xf32> to vector<16xf32>
    %get3A_73 = arith.constant 1 : i32
    %get3A_74 = arith.index_cast %get3A_73 : i32 to index
    %get3A_75 = arith.constant 0 : index
    %get3A_76 = tpu.vector_load %arg4[%get3A_74, %get3A_75] {strides = array<i32>} : memref<2x512xf32, #tpu.memory_space<vmem>>, vector<1x16xf32>,
    %get3A_77 = vector.shape_cast %get3A_76 : vector<1x16xf32> to vector<16xf32>
    %sub3A_78 = arith.subf %get3A_72, %get3A_77 : vector<16xf32>
    %swap3A_79 = arith.constant 0 : index
    %swap3A_80 = tpu.vector_load %arg7[%swap3A_79] {strides = array<i32>} : memref<512xf32, #tpu.memory_space<vmem>>, vector<16xf32>,
    %swap3A_81 = vector.shape_cast %swap3A_80 : vector<16xf32> to vector<16xf32>
    %swap3A_82 = vector.shape_cast %sub3A_78 : vector<16xf32> to vector<16xf32>
    tpu.vector_store %arg7[%swap3A_79], %swap3A_82 {strides = array<i32>} : memref<512xf32, #tpu.memory_space<vmem>>, vector<16xf32>,
    %get3A_83 = arith.constant 1 : i32
    %get3A_84 = arith.index_cast %get3A_83 : i32 to index
    %get3A_85 = arith.constant 16 : index
    %get3A_86 = tpu.vector_load %arg5[%get3A_84, %get3A_85] {strides = array<i32>} : memref<2x512xf32, #tpu.memory_space<vmem>>, vector<1x16xf32>,
    %get3A_87 = vector.shape_cast %get3A_86 : vector<1x16xf32> to vector<16xf32>
    %get3A_88 = arith.constant 0 : i32
    %get3A_89 = arith.index_cast %get3A_88 : i32 to index
    %get3A_90 = arith.constant 16 : index
    %get3A_91 = tpu.vector_load %arg4[%get3A_89, %get3A_90] {strides = array<i32>} : memref<2x512xf32, #tpu.memory_space<vmem>>, vector<1x16xf32>,
    %get3A_92 = vector.shape_cast %get3A_91 : vector<1x16xf32> to vector<16xf32>
    %sub3A_93 = arith.subf %get3A_87, %get3A_92 : vector<16xf32>
    %swap3A_94 = arith.constant 16 : index
    %swap3A_95 = tpu.vector_load %arg6[%swap3A_94] {strides = array<i32>} : memref<512xf32, #tpu.memory_space<vmem>>, vector<16xf32>,
    %swap3A_96 = vector.shape_cast %swap3A_95 : vector<16xf32> to vector<16xf32>
    %swap3A_97 = vector.shape_cast %sub3A_93 : vector<16xf32> to vector<16xf32>
    tpu.vector_store %arg6[%swap3A_94], %swap3A_97 {strides = array<i32>} : memref<512xf32, #tpu.memory_space<vmem>>, vector<16xf32>,
    %get3A_98 = arith.constant 0 : i32
    %get3A_99 = arith.index_cast %get3A_98 : i32 to index
    %get3A_100 = arith.constant 16 : index
    %get3A_101 = tpu.vector_load %arg5[%get3A_99, %get3A_100] {strides = array<i32>} : memref<2x512xf32, #tpu.memory_space<vmem>>, vector<1x16xf32>,
    %get3A_102 = vector.shape_cast %get3A_101 : vector<1x16xf32> to vector<16xf32>
    %get3A_103 = arith.constant 1 : i32
    %get3A_104 = arith.index_cast %get3A_103 : i32 to index
    %get3A_105 = arith.constant 16 : index
    %get3A_106 = tpu.vector_load %arg4[%get3A_104, %get3A_105] {strides = array<i32>} : memref<2x512xf32, #tpu.memory_space<vmem>>, vector<1x16xf32>,
    %get3A_107 = vector.shape_cast %get3A_106 : vector<1x16xf32> to vector<16xf32>
    %sub3A_108 = arith.subf %get3A_102, %get3A_107 : vector<16xf32>
    %swap3A_109 = arith.constant 16 : index
    %swap3A_110 = tpu.vector_load %arg7[%swap3A_109] {strides = array<i32>} : memref<512xf32, #tpu.memory_space<vmem>>, vector<16xf32>,
    %swap3A_111 = vector.shape_cast %swap3A_110 : vector<16xf32> to vector<16xf32>
    %swap3A_112 = vector.shape_cast %sub3A_108 : vector<16xf32> to vector<16xf32>
    tpu.vector_store %arg7[%swap3A_109], %swap3A_112 {strides = array<i32>} : memref<512xf32, #tpu.memory_space<vmem>>, vector<16xf32>,
    %get3A_113 = arith.constant 1 : i32
    %get3A_114 = arith.index_cast %get3A_113 : i32 to index
    %get3A_115 = arith.constant 32 : index
    %get3A_116 = tpu.vector_load %arg5[%get3A_114, %get3A_115] {strides = array<i32>} : memref<2x512xf32, #tpu.memory_space<vmem>>, vector<1x16xf32>,
    %get3A_117 = vector.shape_cast %get3A_116 : vector<1x16xf32> to vector<16xf32>
    %get3A_118 = arith.constant 0 : i32
    %get3A_119 = arith.index_cast %get3A_118 : i32 to index
    %get3A_120 = arith.constant 32 : index
    %get3A_121 = tpu.vector_load %arg4[%get3A_119, %get3A_120] {strides = array<i32>} : memref<2x512xf32, #tpu.memory_space<vmem>>, vector<1x16xf32>,
    %get3A_122 = vector.shape_cast %get3A_121 : vector<1x16xf32> to vector<16xf32>
    %sub3A_123 = arith.subf %get3A_117, %get3A_122 : vector<16xf32>
    %swap3A_124 = arith.constant 32 : index
    %swap3A_125 = tpu.vector_load %arg6[%swap3A_124] {strides = array<i32>} : memref<512xf32, #tpu.memory_space<vmem>>, vector<16xf32>,
    %swap3A_126 = vector.shape_cast %swap3A_125 : vector<16xf32> to vector<16xf32>
    %swap3A_127 = vector.shape_cast %sub3A_123 : vector<16xf32> to vector<16xf32>
    tpu.vector_store %arg6[%swap3A_124], %swap3A_127 {strides = array<i32>} : memref<512xf32, #tpu.memory_space<vmem>>, vector<16xf32>,
    %get3A_128 = arith.constant 0 : i32
    %get3A_129 = arith.index_cast %get3A_128 : i32 to index
    %get3A_130 = arith.constant 32 : index
    %get3A_131 = tpu.vector_load %arg5[%get3A_129, %get3A_130] {strides = array<i32>} : memref<2x512xf32, #tpu.memory_space<vmem>>, vector<1x16xf32>,
    %get3A_132 = vector.shape_cast %get3A_131 : vector<1x16xf32> to vector<16xf32>
    %get3A_133 = arith.constant 1 : i32
    %get3A_134 = arith.index_cast %get3A_133 : i32 to index
    %get3A_135 = arith.constant 32 : index
    %get3A_136 = tpu.vector_load %arg4[%get3A_134, %get3A_135] {strides = array<i32>} : memref<2x512xf32, #tpu.memory_space<vmem>>, vector<1x16xf32>,
    %get3A_137 = vector.shape_cast %get3A_136 : vector<1x16xf32> to vector<16xf32>
    %sub3A_138 = arith.subf %get3A_132, %get3A_137 : vector<16xf32>
    %swap3A_139 = arith.constant 32 : index
    %swap3A_140 = tpu.vector_load %arg7[%swap3A_139] {strides = array<i32>} : memref<512xf32, #tpu.memory_space<vmem>>, vector<16xf32>,
    %swap3A_141 = vector.shape_cast %swap3A_140 : vector<16xf32> to vector<16xf32>
    %swap3A_142 = vector.shape_cast %sub3A_138 : vector<16xf32> to vector<16xf32>
    tpu.vector_store %arg7[%swap3A_139], %swap3A_142 {strides = array<i32>} : memref<512xf32, #tpu.memory_space<vmem>>, vector<16xf32>,
    %get3A_143 = arith.constant 1 : i32
    %get3A_144 = arith.index_cast %get3A_143 : i32 to index
    %get3A_145 = arith.constant 48 : index
    %get3A_146 = tpu.vector_load %arg5[%get3A_144, %get3A_145] {strides = array<i32>} : memref<2x512xf32, #tpu.memory_space<vmem>>, vector<1x16xf32>,
    %get3A_147 = vector.shape_cast %get3A_146 : vector<1x16xf32> to vector<16xf32>
    %get3A_148 = arith.constant 0 : i32
    %get3A_149 = arith.index_cast %get3A_148 : i32 to index
    %get3A_150 = arith.constant 48 : index
    %get3A_151 = tpu.vector_load %arg4[%get3A_149, %get3A_150] {strides = array<i32>} : memref<2x512xf32, #tpu.memory_space<vmem>>, vector<1x16xf32>,
    %get3A_152 = vector.shape_cast %get3A_151 : vector<1x16xf32> to vector<16xf32>
    %sub3A_153 = arith.subf %get3A_147, %get3A_152 : vector<16xf32>
    %swap3A_154 = arith.constant 48 : index
    %swap3A_155 = tpu.vector_load %arg6[%swap3A_154] {strides = array<i32>} : memref<512xf32, #tpu.memory_space<vmem>>, vector<16xf32>,
    %swap3A_156 = vector.shape_cast %swap3A_155 : vector<16xf32> to vector<16xf32>
    %swap3A_157 = vector.shape_cast %sub3A_153 : vector<16xf32> to vector<16xf32>
    tpu.vector_store %arg6[%swap3A_154], %swap3A_157 {strides = array<i32>} : memref<512xf32, #tpu.memory_space<vmem>>, vector<16xf32>,
    %get3A_158 = arith.constant 0 : i32
    %get3A_159 = arith.index_cast %get3A_158 : i32 to index
    %get3A_160 = arith.constant 48 : index
    %get3A_161 = tpu.vector_load %arg5[%get3A_159, %get3A_160] {strides = array<i32>} : memref<2x512xf32, #tpu.memory_space<vmem>>, vector<1x16xf32>,
    %get3A_162 = vector.shape_cast %get3A_161 : vector<1x16xf32> to vector<16xf32>
    %get3A_163 = arith.constant 1 : i32
    %get3A_164 = arith.index_cast %get3A_163 : i32 to index
    %get3A_165 = arith.constant 48 : index
    %get3A_166 = tpu.vector_load %arg4[%get3A_164, %get3A_165] {strides = array<i32>} : memref<2x512xf32, #tpu.memory_space<vmem>>, vector<1x16xf32>,
    %get3A_167 = vector.shape_cast %get3A_166 : vector<1x16xf32> to vector<16xf32>
    %sub3A_168 = arith.subf %get3A_162, %get3A_167 : vector<16xf32>
    %swap3A_169 = arith.constant 48 : index
    %swap3A_170 = tpu.vector_load %arg7[%swap3A_169] {strides = array<i32>} : memref<512xf32, #tpu.memory_space<vmem>>, vector<16xf32>,
    %swap3A_171 = vector.shape_cast %swap3A_170 : vector<16xf32> to vector<16xf32>
    %swap3A_172 = vector.shape_cast %sub3A_168 : vector<16xf32> to vector<16xf32>
    tpu.vector_store %arg7[%swap3A_169], %swap3A_172 {strides = array<i32>} : memref<512xf32, #tpu.memory_space<vmem>>, vector<16xf32>,
    %get3A_173 = arith.constant 1 : i32
    %get3A_174 = arith.index_cast %get3A_173 : i32 to index
    %get3A_175 = arith.constant 64 : index
    %get3A_176 = tpu.vector_load %arg5[%get3A_174, %get3A_175] {strides = array<i32>} : memref<2x512xf32, #tpu.memory_space<vmem>>, vector<1x16xf32>,
    %get3A_177 = vector.shape_cast %get3A_176 : vector<1x16xf32> to vector<16xf32>
    %get3A_178 = arith.constant 0 : i32
    %get3A_179 = arith.index_cast %get3A_178 : i32 to index
    %get3A_180 = arith.constant 64 : index
    %get3A_181 = tpu.vector_load %arg4[%get3A_179, %get3A_180] {strides = array<i32>} : memref<2x512xf32, #tpu.memory_space<vmem>>, vector<1x16xf32>,
    %get3A_182 = vector.shape_cast %get3A_181 : vector<1x16xf32> to vector<16xf32>
    %sub3A_183 = arith.subf %get3A_177, %get3A_182 : vector<16xf32>
    %swap3A_184 = arith.constant 64 : index
    %swap3A_185 = tpu.vector_load %arg6[%swap3A_184] {strides = array<i32>} : memref<512xf32, #tpu.memory_space<vmem>>, vector<16xf32>,
    %swap3A_186 = vector.shape_cast %swap3A_185 : vector<16xf32> to vector<16xf32>
    %swap3A_187 = vector.shape_cast %sub3A_183 : vector<16xf32> to vector<16xf32>
    tpu.vector_store %arg6[%swap3A_184], %swap3A_187 {strides = array<i32>} : memref<512xf32, #tpu.memory_space<vmem>>, vector<16xf32>,
    %get3A_188 = arith.constant 0 : i32
    %get3A_189 = arith.index_cast %get3A_188 : i32 to index
    %get3A_190 = arith.constant 64 : index
    %get3A_191 = tpu.vector_load %arg5[%get3A_189, %get3A_190] {strides = array<i32>} : memref<2x512xf32, #tpu.memory_space<vmem>>, vector<1x16xf32>,
    %get3A_192 = vector.shape_cast %get3A_191 : vector<1x16xf32> to vector<16xf32>
    %get3A_193 = arith.constant 1 : i32
    %get3A_194 = arith.index_cast %get3A_193 : i32 to index
    %get3A_195 = arith.constant 64 : index
    %get3A_196 = tpu.vector_load %arg4[%get3A_194, %get3A_195] {strides = array<i32>} : memref<2x512xf32, #tpu.memory_space<vmem>>, vector<1x16xf32>,
    %get3A_197 = vector.shape_cast %get3A_196 : vector<1x16xf32> to vector<16xf32>
    %sub3A_198 = arith.subf %get3A_192, %get3A_197 : vector<16xf32>
    %swap3A_199 = arith.constant 64 : index
    %swap3A_200 = tpu.vector_load %arg7[%swap3A_199] {strides = array<i32>} : memref<512xf32, #tpu.memory_space<vmem>>, vector<16xf32>,
    %swap3A_201 = vector.shape_cast %swap3A_200 : vector<16xf32> to vector<16xf32>
    %swap3A_202 = vector.shape_cast %sub3A_198 : vector<16xf32> to vector<16xf32>
    tpu.vector_store %arg7[%swap3A_199], %swap3A_202 {strides = array<i32>} : memref<512xf32, #tpu.memory_space<vmem>>, vector<16xf32>,
    %get3A_203 = arith.constant 1 : i32
    %get3A_204 = arith.index_cast %get3A_203 : i32 to index
    %get3A_205 = arith.constant 80 : index
    %get3A_206 = tpu.vector_load %arg5[%get3A_204, %get3A_205] {strides = array<i32>} : memref<2x512xf32, #tpu.memory_space<vmem>>, vector<1x16xf32>,
    %get3A_207 = vector.shape_cast %get3A_206 : vector<1x16xf32> to vector<16xf32>
    %get3A_208 = arith.constant 0 : i32
    %get3A_209 = arith.index_cast %get3A_208 : i32 to index
    %get3A_210 = arith.constant 80 : index
    %get3A_211 = tpu.vector_load %arg4[%get3A_209, %get3A_210] {strides = array<i32>} : memref<2x512xf32, #tpu.memory_space<vmem>>, vector<1x16xf32>,
    %get3A_212 = vector.shape_cast %get3A_211 : vector<1x16xf32> to vector<16xf32>
    %sub3A_213 = arith.subf %get3A_207, %get3A_212 : vector<16xf32>
    %swap3A_214 = arith.constant 80 : index
    %swap3A_215 = tpu.vector_load %arg6[%swap3A_214] {strides = array<i32>} : memref<512xf32, #tpu.memory_space<vmem>>, vector<16xf32>,
    %swap3A_216 = vector.shape_cast %swap3A_215 : vector<16xf32> to vector<16xf32>
    %swap3A_217 = vector.shape_cast %sub3A_213 : vector<16xf32> to vector<16xf32>
    tpu.vector_store %arg6[%swap3A_214], %swap3A_217 {strides = array<i32>} : memref<512xf32, #tpu.memory_space<vmem>>, vector<16xf32>,
    %get3A_218 = arith.constant 0 : i32
    %get3A_219 = arith.index_cast %get3A_218 : i32 to index
    %get3A_220 = arith.constant 80 : index
    %get3A_221 = tpu.vector_load %arg5[%get3A_219, %get3A_220] {strides = array<i32>} : memref<2x512xf32, #tpu.memory_space<vmem>>, vector<1x16xf32>,
    %get3A_222 = vector.shape_cast %get3A_221 : vector<1x16xf32> to vector<16xf32>
    %get3A_223 = arith.constant 1 : i32
    %get3A_224 = arith.index_cast %get3A_223 : i32 to index
    %get3A_225 = arith.constant 80 : index
    %get3A_226 = tpu.vector_load %arg4[%get3A_224, %get3A_225] {strides = array<i32>} : memref<2x512xf32, #tpu.memory_space<vmem>>, vector<1x16xf32>,
    %get3A_227 = vector.shape_cast %get3A_226 : vector<1x16xf32> to vector<16xf32>
    %sub3A_228 = arith.subf %get3A_222, %get3A_227 : vector<16xf32>
    %swap3A_229 = arith.constant 80 : index
    %swap3A_230 = tpu.vector_load %arg7[%swap3A_229] {strides = array<i32>} : memref<512xf32, #tpu.memory_space<vmem>>, vector<16xf32>,
    %swap3A_231 = vector.shape_cast %swap3A_230 : vector<16xf32> to vector<16xf32>
    %swap3A_232 = vector.shape_cast %sub3A_228 : vector<16xf32> to vector<16xf32>
    tpu.vector_store %arg7[%swap3A_229], %swap3A_232 {strides = array<i32>} : memref<512xf32, #tpu.memory_space<vmem>>, vector<16xf32>,
    %get3A_233 = arith.constant 1 : i32
    %get3A_234 = arith.index_cast %get3A_233 : i32 to index
    %get3A_235 = arith.constant 96 : index
    %get3A_236 = tpu.vector_load %arg5[%get3A_234, %get3A_235] {strides = array<i32>} : memref<2x512xf32, #tpu.memory_space<vmem>>, vector<1x16xf32>,
    %get3A_237 = vector.shape_cast %get3A_236 : vector<1x16xf32> to vector<16xf32>
    %get3A_238 = arith.constant 0 : i32
    %get3A_239 = arith.index_cast %get3A_238 : i32 to index
    %get3A_240 = arith.constant 96 : index
    %get3A_241 = tpu.vector_load %arg4[%get3A_239, %get3A_240] {strides = array<i32>} : memref<2x512xf32, #tpu.memory_space<vmem>>, vector<1x16xf32>,
    %get3A_242 = vector.shape_cast %get3A_241 : vector<1x16xf32> to vector<16xf32>
    %sub3A_243 = arith.subf %get3A_237, %get3A_242 : vector<16xf32>
    %swap3A_244 = arith.constant 96 : index
    %swap3A_245 = tpu.vector_load %arg6[%swap3A_244] {strides = array<i32>} : memref<512xf32, #tpu.memory_space<vmem>>, vector<16xf32>,
    %swap3A_246 = vector.shape_cast %swap3A_245 : vector<16xf32> to vector<16xf32>
    %swap3A_247 = vector.shape_cast %sub3A_243 : vector<16xf32> to vector<16xf32>
    tpu.vector_store %arg6[%swap3A_244], %swap3A_247 {strides = array<i32>} : memref<512xf32, #tpu.memory_space<vmem>>, vector<16xf32>,
    %get3A_248 = arith.constant 0 : i32
    %get3A_249 = arith.index_cast %get3A_248 : i32 to index
    %get3A_250 = arith.constant 96 : index
    %get3A_251 = tpu.vector_load %arg5[%get3A_249, %get3A_250] {strides = array<i32>} : memref<2x512xf32, #tpu.memory_space<vmem>>, vector<1x16xf32>,
    %get3A_252 = vector.shape_cast %get3A_251 : vector<1x16xf32> to vector<16xf32>
    %get3A_253 = arith.constant 1 : i32
    %get3A_254 = arith.index_cast %get3A_253 : i32 to index
    %get3A_255 = arith.constant 96 : index
    %get3A_256 = tpu.vector_load %arg4[%get3A_254, %get3A_255] {strides = array<i32>} : memref<2x512xf32, #tpu.memory_space<vmem>>, vector<1x16xf32>,
    %get3A_257 = vector.shape_cast %get3A_256 : vector<1x16xf32> to vector<16xf32>
    %sub3A_258 = arith.subf %get3A_252, %get3A_257 : vector<16xf32>
    %swap3A_259 = arith.constant 96 : index
    %swap3A_260 = tpu.vector_load %arg7[%swap3A_259] {strides = array<i32>} : memref<512xf32, #tpu.memory_space<vmem>>, vector<16xf32>,
    %swap3A_261 = vector.shape_cast %swap3A_260 : vector<16xf32> to vector<16xf32>
    %swap3A_262 = vector.shape_cast %sub3A_258 : vector<16xf32> to vector<16xf32>
    tpu.vector_store %arg7[%swap3A_259], %swap3A_262 {strides = array<i32>} : memref<512xf32, #tpu.memory_space<vmem>>, vector<16xf32>,
    %get3A_263 = arith.constant 1 : i32
    %get3A_264 = arith.index_cast %get3A_263 : i32 to index
    %get3A_265 = arith.constant 112 : index
    %get3A_266 = tpu.vector_load %arg5[%get3A_264, %get3A_265] {strides = array<i32>} : memref<2x512xf32, #tpu.memory_space<vmem>>, vector<1x16xf32>,
    %get3A_267 = vector.shape_cast %get3A_266 : vector<1x16xf32> to vector<16xf32>
    %get3A_268 = arith.constant 0 : i32
    %get3A_269 = arith.index_cast %get3A_268 : i32 to index
    %get3A_270 = arith.constant 112 : index
    %get3A_271 = tpu.vector_load %arg4[%get3A_269, %get3A_270] {strides = array<i32>} : memref<2x512xf32, #tpu.memory_space<vmem>>, vector<1x16xf32>,
    %get3A_272 = vector.shape_cast %get3A_271 : vector<1x16xf32> to vector<16xf32>
    %sub3A_273 = arith.subf %get3A_267, %get3A_272 : vector<16xf32>
    %swap3A_274 = arith.constant 112 : index
    %swap3A_275 = tpu.vector_load %arg6[%swap3A_274] {strides = array<i32>} : memref<512xf32, #tpu.memory_space<vmem>>, vector<16xf32>,
    %swap3A_276 = vector.shape_cast %swap3A_275 : vector<16xf32> to vector<16xf32>
    %swap3A_277 = vector.shape_cast %sub3A_273 : vector<16xf32> to vector<16xf32>
    tpu.vector_store %arg6[%swap3A_274], %swap3A_277 {strides = array<i32>} : memref<512xf32, #tpu.memory_space<vmem>>, vector<16xf32>,
    %get3A_278 = arith.constant 0 : i32
    %get3A_279 = arith.index_cast %get3A_278 : i32 to index
    %get3A_280 = arith.constant 112 : index
    %get3A_281 = tpu.vector_load %arg5[%get3A_279, %get3A_280] {strides = array<i32>} : memref<2x512xf32, #tpu.memory_space<vmem>>, vector<1x16xf32>,
    %get3A_282 = vector.shape_cast %get3A_281 : vector<1x16xf32> to vector<16xf32>
    %get3A_283 = arith.constant 1 : i32
    %get3A_284 = arith.index_cast %get3A_283 : i32 to index
    %get3A_285 = arith.constant 112 : index
    %get3A_286 = tpu.vector_load %arg4[%get3A_284, %get3A_285] {strides = array<i32>} : memref<2x512xf32, #tpu.memory_space<vmem>>, vector<1x16xf32>,
    %get3A_287 = vector.shape_cast %get3A_286 : vector<1x16xf32> to vector<16xf32>
    %sub3A_288 = arith.subf %get3A_282, %get3A_287 : vector<16xf32>
    %swap3A_289 = arith.constant 112 : index
    %swap3A_290 = tpu.vector_load %arg7[%swap3A_289] {strides = array<i32>} : memref<512xf32, #tpu.memory_space<vmem>>, vector<16xf32>,
    %swap3A_291 = vector.shape_cast %swap3A_290 : vector<16xf32> to vector<16xf32>
    %swap3A_292 = vector.shape_cast %sub3A_288 : vector<16xf32> to vector<16xf32>
    tpu.vector_store %arg7[%swap3A_289], %swap3A_292 {strides = array<i32>} : memref<512xf32, #tpu.memory_space<vmem>>, vector<16xf32>,
    %get3A_293 = arith.constant 1 : i32
    %get3A_294 = arith.index_cast %get3A_293 : i32 to index
    %get3A_295 = arith.constant 128 : index
    %get3A_296 = tpu.vector_load %arg5[%get3A_294, %get3A_295] {strides = array<i32>} : memref<2x512xf32, #tpu.memory_space<vmem>>, vector<1x16xf32>,
    %get3A_297 = vector.shape_cast %get3A_296 : vector<1x16xf32> to vector<16xf32>
    %get3A_298 = arith.constant 0 : i32
    %get3A_299 = arith.index_cast %get3A_298 : i32 to index
    %get3A_300 = arith.constant 128 : index
    %get3A_301 = tpu.vector_load %arg4[%get3A_299, %get3A_300] {strides = array<i32>} : memref<2x512xf32, #tpu.memory_space<vmem>>, vector<1x16xf32>,
    %get3A_302 = vector.shape_cast %get3A_301 : vector<1x16xf32> to vector<16xf32>
    %sub3A_303 = arith.subf %get3A_297, %get3A_302 : vector<16xf32>
    %swap3A_304 = arith.constant 128 : index
    %swap3A_305 = tpu.vector_load %arg6[%swap3A_304] {strides = array<i32>} : memref<512xf32, #tpu.memory_space<vmem>>, vector<16xf32>,
    %swap3A_306 = vector.shape_cast %swap3A_305 : vector<16xf32> to vector<16xf32>
    %swap3A_307 = vector.shape_cast %sub3A_303 : vector<16xf32> to vector<16xf32>
    tpu.vector_store %arg6[%swap3A_304], %swap3A_307 {strides = array<i32>} : memref<512xf32, #tpu.memory_space<vmem>>, vector<16xf32>,
    %get3A_308 = arith.constant 0 : i32
    %get3A_309 = arith.index_cast %get3A_308 : i32 to index
    %get3A_310 = arith.constant 128 : index
    %get3A_311 = tpu.vector_load %arg5[%get3A_309, %get3A_310] {strides = array<i32>} : memref<2x512xf32, #tpu.memory_space<vmem>>, vector<1x16xf32>,
    %get3A_312 = vector.shape_cast %get3A_311 : vector<1x16xf32> to vector<16xf32>
    %get3A_313 = arith.constant 1 : i32
    %get3A_314 = arith.index_cast %get3A_313 : i32 to index
    %get3A_315 = arith.constant 128 : index
    %get3A_316 = tpu.vector_load %arg4[%get3A_314, %get3A_315] {strides = array<i32>} : memref<2x512xf32, #tpu.memory_space<vmem>>, vector<1x16xf32>,
    %get3A_317 = vector.shape_cast %get3A_316 : vector<1x16xf32> to vector<16xf32>
    %sub3A_318 = arith.subf %get3A_312, %get3A_317 : vector<16xf32>
    %swap3A_319 = arith.constant 128 : index
    %swap3A_320 = tpu.vector_load %arg7[%swap3A_319] {strides = array<i32>} : memref<512xf32, #tpu.memory_space<vmem>>, vector<16xf32>,
    %swap3A_321 = vector.shape_cast %swap3A_320 : vector<16xf32> to vector<16xf32>
    %swap3A_322 = vector.shape_cast %sub3A_318 : vector<16xf32> to vector<16xf32>
    tpu.vector_store %arg7[%swap3A_319], %swap3A_322 {strides = array<i32>} : memref<512xf32, #tpu.memory_space<vmem>>, vector<16xf32>,
    %get3A_323 = arith.constant 1 : i32
    %get3A_324 = arith.index_cast %get3A_323 : i32 to index
    %get3A_325 = arith.constant 144 : index
    %get3A_326 = tpu.vector_load %arg5[%get3A_324, %get3A_325] {strides = array<i32>} : memref<2x512xf32, #tpu.memory_space<vmem>>, vector<1x16xf32>,
    %get3A_327 = vector.shape_cast %get3A_326 : vector<1x16xf32> to vector<16xf32>
    %get3A_328 = arith.constant 0 : i32
    %get3A_329 = arith.index_cast %get3A_328 : i32 to index
    %get3A_330 = arith.constant 144 : index
    %get3A_331 = tpu.vector_load %arg4[%get3A_329, %get3A_330] {strides = array<i32>} : memref<2x512xf32, #tpu.memory_space<vmem>>, vector<1x16xf32>,
    %get3A_332 = vector.shape_cast %get3A_331 : vector<1x16xf32> to vector<16xf32>
    %sub3A_333 = arith.subf %get3A_327, %get3A_332 : vector<16xf32>
    %swap3A_334 = arith.constant 144 : index
    %swap3A_335 = tpu.vector_load %arg6[%swap3A_334] {strides = array<i32>} : memref<512xf32, #tpu.memory_space<vmem>>, vector<16xf32>,
    %swap3A_336 = vector.shape_cast %swap3A_335 : vector<16xf32> to vector<16xf32>
    %swap3A_337 = vector.shape_cast %sub3A_333 : vector<16xf32> to vector<16xf32>
    tpu.vector_store %arg6[%swap3A_334], %swap3A_337 {strides = array<i32>} : memref<512xf32, #tpu.memory_space<vmem>>, vector<16xf32>,
    %get3A_338 = arith.constant 0 : i32
    %get3A_339 = arith.index_cast %get3A_338 : i32 to index
    %get3A_340 = arith.constant 144 : index
    %get3A_341 = tpu.vector_load %arg5[%get3A_339, %get3A_340] {strides = array<i32>} : memref<2x512xf32, #tpu.memory_space<vmem>>, vector<1x16xf32>,
    %get3A_342 = vector.shape_cast %get3A_341 : vector<1x16xf32> to vector<16xf32>
    %get3A_343 = arith.constant 1 : i32
    %get3A_344 = arith.index_cast %get3A_343 : i32 to index
    %get3A_345 = arith.constant 144 : index
    %get3A_346 = tpu.vector_load %arg4[%get3A_344, %get3A_345] {strides = array<i32>} : memref<2x512xf32, #tpu.memory_space<vmem>>, vector<1x16xf32>,
    %get3A_347 = vector.shape_cast %get3A_346 : vector<1x16xf32> to vector<16xf32>
    %sub3A_348 = arith.subf %get3A_342, %get3A_347 : vector<16xf32>
    %swap3A_349 = arith.constant 144 : index
    %swap3A_350 = tpu.vector_load %arg7[%swap3A_349] {strides = array<i32>} : memref<512xf32, #tpu.memory_space<vmem>>, vector<16xf32>,
    %swap3A_351 = vector.shape_cast %swap3A_350 : vector<16xf32> to vector<16xf32>
    %swap3A_352 = vector.shape_cast %sub3A_348 : vector<16xf32> to vector<16xf32>
    tpu.vector_store %arg7[%swap3A_349], %swap3A_352 {strides = array<i32>} : memref<512xf32, #tpu.memory_space<vmem>>, vector<16xf32>,
    %get3A_353 = arith.constant 1 : i32
    %get3A_354 = arith.index_cast %get3A_353 : i32 to index
    %get3A_355 = arith.constant 160 : index
    %get3A_356 = tpu.vector_load %arg5[%get3A_354, %get3A_355] {strides = array<i32>} : memref<2x512xf32, #tpu.memory_space<vmem>>, vector<1x16xf32>,
    %get3A_357 = vector.shape_cast %get3A_356 : vector<1x16xf32> to vector<16xf32>
    %get3A_358 = arith.constant 0 : i32
    %get3A_359 = arith.index_cast %get3A_358 : i32 to index
    %get3A_360 = arith.constant 160 : index
    %get3A_361 = tpu.vector_load %arg4[%get3A_359, %get3A_360] {strides = array<i32>} : memref<2x512xf32, #tpu.memory_space<vmem>>, vector<1x16xf32>,
    %get3A_362 = vector.shape_cast %get3A_361 : vector<1x16xf32> to vector<16xf32>
    %sub3A_363 = arith.subf %get3A_357, %get3A_362 : vector<16xf32>
    %swap3A_364 = arith.constant 160 : index
    %swap3A_365 = tpu.vector_load %arg6[%swap3A_364] {strides = array<i32>} : memref<512xf32, #tpu.memory_space<vmem>>, vector<16xf32>,
    %swap3A_366 = vector.shape_cast %swap3A_365 : vector<16xf32> to vector<16xf32>
    %swap3A_367 = vector.shape_cast %sub3A_363 : vector<16xf32> to vector<16xf32>
    tpu.vector_store %arg6[%swap3A_364], %swap3A_367 {strides = array<i32>} : memref<512xf32, #tpu.memory_space<vmem>>, vector<16xf32>,
    %get3A_368 = arith.constant 0 : i32
    %get3A_369 = arith.index_cast %get3A_368 : i32 to index
    %get3A_370 = arith.constant 160 : index
    %get3A_371 = tpu.vector_load %arg5[%get3A_369, %get3A_370] {strides = array<i32>} : memref<2x512xf32, #tpu.memory_space<vmem>>, vector<1x16xf32>,
    %get3A_372 = vector.shape_cast %get3A_371 : vector<1x16xf32> to vector<16xf32>
    %get3A_373 = arith.constant 1 : i32
    %get3A_374 = arith.index_cast %get3A_373 : i32 to index
    %get3A_375 = arith.constant 160 : index
    %get3A_376 = tpu.vector_load %arg4[%get3A_374, %get3A_375] {strides = array<i32>} : memref<2x512xf32, #tpu.memory_space<vmem>>, vector<1x16xf32>,
    %get3A_377 = vector.shape_cast %get3A_376 : vector<1x16xf32> to vector<16xf32>
    %sub3A_378 = arith.subf %get3A_372, %get3A_377 : vector<16xf32>
    %swap3A_379 = arith.constant 160 : index
    %swap3A_380 = tpu.vector_load %arg7[%swap3A_379] {strides = array<i32>} : memref<512xf32, #tpu.memory_space<vmem>>, vector<16xf32>,
    %swap3A_381 = vector.shape_cast %swap3A_380 : vector<16xf32> to vector<16xf32>
    %swap3A_382 = vector.shape_cast %sub3A_378 : vector<16xf32> to vector<16xf32>
    tpu.vector_store %arg7[%swap3A_379], %swap3A_382 {strides = array<i32>} : memref<512xf32, #tpu.memory_space<vmem>>, vector<16xf32>,
    %get3A_383 = arith.constant 1 : i32
    %get3A_384 = arith.index_cast %get3A_383 : i32 to index
    %get3A_385 = arith.constant 176 : index
    %get3A_386 = tpu.vector_load %arg5[%get3A_384, %get3A_385] {strides = array<i32>} : memref<2x512xf32, #tpu.memory_space<vmem>>, vector<1x16xf32>,
    %get3A_387 = vector.shape_cast %get3A_386 : vector<1x16xf32> to vector<16xf32>
    %get3A_388 = arith.constant 0 : i32
    %get3A_389 = arith.index_cast %get3A_388 : i32 to index
    %get3A_390 = arith.constant 176 : index
    %get3A_391 = tpu.vector_load %arg4[%get3A_389, %get3A_390] {strides = array<i32>} : memref<2x512xf32, #tpu.memory_space<vmem>>, vector<1x16xf32>,
    %get3A_392 = vector.shape_cast %get3A_391 : vector<1x16xf32> to vector<16xf32>
    %sub3A_393 = arith.subf %get3A_387, %get3A_392 : vector<16xf32>
    %swap3A_394 = arith.constant 176 : index
    %swap3A_395 = tpu.vector_load %arg6[%swap3A_394] {strides = array<i32>} : memref<512xf32, #tpu.memory_space<vmem>>, vector<16xf32>,
    %swap3A_396 = vector.shape_cast %swap3A_395 : vector<16xf32> to vector<16xf32>
    %swap3A_397 = vector.shape_cast %sub3A_393 : vector<16xf32> to vector<16xf32>
    tpu.vector_store %arg6[%swap3A_394], %swap3A_397 {strides = array<i32>} : memref<512xf32, #tpu.memory_space<vmem>>, vector<16xf32>,
    %get3A_398 = arith.constant 0 : i32
    %get3A_399 = arith.index_cast %get3A_398 : i32 to index
    %get3A_400 = arith.constant 176 : index
    %get3A_401 = tpu.vector_load %arg5[%get3A_399, %get3A_400] {strides = array<i32>} : memref<2x512xf32, #tpu.memory_space<vmem>>, vector<1x16xf32>,
    %get3A_402 = vector.shape_cast %get3A_401 : vector<1x16xf32> to vector<16xf32>
    %get3A_403 = arith.constant 1 : i32
    %get3A_404 = arith.index_cast %get3A_403 : i32 to index
    %get3A_405 = arith.constant 176 : index
    %get3A_406 = tpu.vector_load %arg4[%get3A_404, %get3A_405] {strides = array<i32>} : memref<2x512xf32, #tpu.memory_space<vmem>>, vector<1x16xf32>,
    %get3A_407 = vector.shape_cast %get3A_406 : vector<1x16xf32> to vector<16xf32>
    %sub3A_408 = arith.subf %get3A_402, %get3A_407 : vector<16xf32>
    %swap3A_409 = arith.constant 176 : index
    %swap3A_410 = tpu.vector_load %arg7[%swap3A_409] {strides = array<i32>} : memref<512xf32, #tpu.memory_space<vmem>>, vector<16xf32>,
    %swap3A_411 = vector.shape_cast %swap3A_410 : vector<16xf32> to vector<16xf32>
    %swap3A_412 = vector.shape_cast %sub3A_408 : vector<16xf32> to vector<16xf32>
    tpu.vector_store %arg7[%swap3A_409], %swap3A_412 {strides = array<i32>} : memref<512xf32, #tpu.memory_space<vmem>>, vector<16xf32>,
    %get3A_413 = arith.constant 1 : i32
    %get3A_414 = arith.index_cast %get3A_413 : i32 to index
    %get3A_415 = arith.constant 192 : index
    %get3A_416 = tpu.vector_load %arg5[%get3A_414, %get3A_415] {strides = array<i32>} : memref<2x512xf32, #tpu.memory_space<vmem>>, vector<1x16xf32>,
    %get3A_417 = vector.shape_cast %get3A_416 : vector<1x16xf32> to vector<16xf32>
    %get3A_418 = arith.constant 0 : i32
    %get3A_419 = arith.index_cast %get3A_418 : i32 to index
    %get3A_420 = arith.constant 192 : index
    %get3A_421 = tpu.vector_load %arg4[%get3A_419, %get3A_420] {strides = array<i32>} : memref<2x512xf32, #tpu.memory_space<vmem>>, vector<1x16xf32>,
    %get3A_422 = vector.shape_cast %get3A_421 : vector<1x16xf32> to vector<16xf32>
    %sub3A_423 = arith.subf %get3A_417, %get3A_422 : vector<16xf32>
    %swap3A_424 = arith.constant 192 : index
    %swap3A_425 = tpu.vector_load %arg6[%swap3A_424] {strides = array<i32>} : memref<512xf32, #tpu.memory_space<vmem>>, vector<16xf32>,
    %swap3A_426 = vector.shape_cast %swap3A_425 : vector<16xf32> to vector<16xf32>
    %swap3A_427 = vector.shape_cast %sub3A_423 : vector<16xf32> to vector<16xf32>
    tpu.vector_store %arg6[%swap3A_424], %swap3A_427 {strides = array<i32>} : memref<512xf32, #tpu.memory_space<vmem>>, vector<16xf32>,
    %get3A_428 = arith.constant 0 : i32
    %get3A_429 = arith.index_cast %get3A_428 : i32 to index
    %get3A_430 = arith.constant 192 : index
    %get3A_431 = tpu.vector_load %arg5[%get3A_429, %get3A_430] {strides = array<i32>} : memref<2x512xf32, #tpu.memory_space<vmem>>, vector<1x16xf32>,
    %get3A_432 = vector.shape_cast %get3A_431 : vector<1x16xf32> to vector<16xf32>
    %get3A_433 = arith.constant 1 : i32
    %get3A_434 = arith.index_cast %get3A_433 : i32 to index
    %get3A_435 = arith.constant 192 : index
    %get3A_436 = tpu.vector_load %arg4[%get3A_434, %get3A_435] {strides = array<i32>} : memref<2x512xf32, #tpu.memory_space<vmem>>, vector<1x16xf32>,
    %get3A_437 = vector.shape_cast %get3A_436 : vector<1x16xf32> to vector<16xf32>
    %sub3A_438 = arith.subf %get3A_432, %get3A_437 : vector<16xf32>
    %swap3A_439 = arith.constant 192 : index
    %swap3A_440 = tpu.vector_load %arg7[%swap3A_439] {strides = array<i32>} : memref<512xf32, #tpu.memory_space<vmem>>, vector<16xf32>,
    %swap3A_441 = vector.shape_cast %swap3A_440 : vector<16xf32> to vector<16xf32>
    %swap3A_442 = vector.shape_cast %sub3A_438 : vector<16xf32> to vector<16xf32>
    tpu.vector_store %arg7[%swap3A_439], %swap3A_442 {strides = array<i32>} : memref<512xf32, #tpu.memory_space<vmem>>, vector<16xf32>,
    %get3A_443 = arith.constant 1 : i32
    %get3A_444 = arith.index_cast %get3A_443 : i32 to index
    %get3A_445 = arith.constant 208 : index
    %get3A_446 = tpu.vector_load %arg5[%get3A_444, %get3A_445] {strides = array<i32>} : memref<2x512xf32, #tpu.memory_space<vmem>>, vector<1x16xf32>,
    %get3A_447 = vector.shape_cast %get3A_446 : vector<1x16xf32> to vector<16xf32>
    %get3A_448 = arith.constant 0 : i32
    %get3A_449 = arith.index_cast %get3A_448 : i32 to index
    %get3A_450 = arith.constant 208 : index
    %get3A_451 = tpu.vector_load %arg4[%get3A_449, %get3A_450] {strides = array<i32>} : memref<2x512xf32, #tpu.memory_space<vmem>>, vector<1x16xf32>,
    %get3A_452 = vector.shape_cast %get3A_451 : vector<1x16xf32> to vector<16xf32>
    %sub3A_453 = arith.subf %get3A_447, %get3A_452 : vector<16xf32>
    %swap3A_454 = arith.constant 208 : index
    %swap3A_455 = tpu.vector_load %arg6[%swap3A_454] {strides = array<i32>} : memref<512xf32, #tpu.memory_space<vmem>>, vector<16xf32>,
    %swap3A_456 = vector.shape_cast %swap3A_455 : vector<16xf32> to vector<16xf32>
    %swap3A_457 = vector.shape_cast %sub3A_453 : vector<16xf32> to vector<16xf32>
    tpu.vector_store %arg6[%swap3A_454], %swap3A_457 {strides = array<i32>} : memref<512xf32, #tpu.memory_space<vmem>>, vector<16xf32>,
    %get3A_458 = arith.constant 0 : i32
    %get3A_459 = arith.index_cast %get3A_458 : i32 to index
    %get3A_460 = arith.constant 208 : index
    %get3A_461 = tpu.vector_load %arg5[%get3A_459, %get3A_460] {strides = array<i32>} : memref<2x512xf32, #tpu.memory_space<vmem>>, vector<1x16xf32>,
    %get3A_462 = vector.shape_cast %get3A_461 : vector<1x16xf32> to vector<16xf32>
    %get3A_463 = arith.constant 1 : i32
    %get3A_464 = arith.index_cast %get3A_463 : i32 to index
    %get3A_465 = arith.constant 208 : index
    %get3A_466 = tpu.vector_load %arg4[%get3A_464, %get3A_465] {strides = array<i32>} : memref<2x512xf32, #tpu.memory_space<vmem>>, vector<1x16xf32>,
    %get3A_467 = vector.shape_cast %get3A_466 : vector<1x16xf32> to vector<16xf32>
    %sub3A_468 = arith.subf %get3A_462, %get3A_467 : vector<16xf32>
    %swap3A_469 = arith.constant 208 : index
    %swap3A_470 = tpu.vector_load %arg7[%swap3A_469] {strides = array<i32>} : memref<512xf32, #tpu.memory_space<vmem>>, vector<16xf32>,
    %swap3A_471 = vector.shape_cast %swap3A_470 : vector<16xf32> to vector<16xf32>
    %swap3A_472 = vector.shape_cast %sub3A_468 : vector<16xf32> to vector<16xf32>
    tpu.vector_store %arg7[%swap3A_469], %swap3A_472 {strides = array<i32>} : memref<512xf32, #tpu.memory_space<vmem>>, vector<16xf32>,
    %get3A_473 = arith.constant 1 : i32
    %get3A_474 = arith.index_cast %get3A_473 : i32 to index
    %get3A_475 = arith.constant 224 : index
    %get3A_476 = tpu.vector_load %arg5[%get3A_474, %get3A_475] {strides = array<i32>} : memref<2x512xf32, #tpu.memory_space<vmem>>, vector<1x16xf32>,
    %get3A_477 = vector.shape_cast %get3A_476 : vector<1x16xf32> to vector<16xf32>
    %get3A_478 = arith.constant 0 : i32
    %get3A_479 = arith.index_cast %get3A_478 : i32 to index
    %get3A_480 = arith.constant 224 : index
    %get3A_481 = tpu.vector_load %arg4[%get3A_479, %get3A_480] {strides = array<i32>} : memref<2x512xf32, #tpu.memory_space<vmem>>, vector<1x16xf32>,
    %get3A_482 = vector.shape_cast %get3A_481 : vector<1x16xf32> to vector<16xf32>
    %sub3A_483 = arith.subf %get3A_477, %get3A_482 : vector<16xf32>
    %swap3A_484 = arith.constant 224 : index
    %swap3A_485 = tpu.vector_load %arg6[%swap3A_484] {strides = array<i32>} : memref<512xf32, #tpu.memory_space<vmem>>, vector<16xf32>,
    %swap3A_486 = vector.shape_cast %swap3A_485 : vector<16xf32> to vector<16xf32>
    %swap3A_487 = vector.shape_cast %sub3A_483 : vector<16xf32> to vector<16xf32>
    tpu.vector_store %arg6[%swap3A_484], %swap3A_487 {strides = array<i32>} : memref<512xf32, #tpu.memory_space<vmem>>, vector<16xf32>,
    %get3A_488 = arith.constant 0 : i32
    %get3A_489 = arith.index_cast %get3A_488 : i32 to index
    %get3A_490 = arith.constant 224 : index
    %get3A_491 = tpu.vector_load %arg5[%get3A_489, %get3A_490] {strides = array<i32>} : memref<2x512xf32, #tpu.memory_space<vmem>>, vector<1x16xf32>,
    %get3A_492 = vector.shape_cast %get3A_491 : vector<1x16xf32> to vector<16xf32>
    %get3A_493 = arith.constant 1 : i32
    %get3A_494 = arith.index_cast %get3A_493 : i32 to index
    %get3A_495 = arith.constant 224 : index
    %get3A_496 = tpu.vector_load %arg4[%get3A_494, %get3A_495] {strides = array<i32>} : memref<2x512xf32, #tpu.memory_space<vmem>>, vector<1x16xf32>,
    %get3A_497 = vector.shape_cast %get3A_496 : vector<1x16xf32> to vector<16xf32>
    %sub3A_498 = arith.subf %get3A_492, %get3A_497 : vector<16xf32>
    %swap3A_499 = arith.constant 224 : index
    %swap3A_500 = tpu.vector_load %arg7[%swap3A_499] {strides = array<i32>} : memref<512xf32, #tpu.memory_space<vmem>>, vector<16xf32>,
    %swap3A_501 = vector.shape_cast %swap3A_500 : vector<16xf32> to vector<16xf32>
    %swap3A_502 = vector.shape_cast %sub3A_498 : vector<16xf32> to vector<16xf32>
    tpu.vector_store %arg7[%swap3A_499], %swap3A_502 {strides = array<i32>} : memref<512xf32, #tpu.memory_space<vmem>>, vector<16xf32>,
    %get3A_503 = arith.constant 1 : i32
    %get3A_504 = arith.index_cast %get3A_503 : i32 to index
    %get3A_505 = arith.constant 240 : index
    %get3A_506 = tpu.vector_load %arg5[%get3A_504, %get3A_505] {strides = array<i32>} : memref<2x512xf32, #tpu.memory_space<vmem>>, vector<1x16xf32>,
    %get3A_507 = vector.shape_cast %get3A_506 : vector<1x16xf32> to vector<16xf32>
    %get3A_508 = arith.constant 0 : i32
    %get3A_509 = arith.index_cast %get3A_508 : i32 to index
    %get3A_510 = arith.constant 240 : index
    %get3A_511 = tpu.vector_load %arg4[%get3A_509, %get3A_510] {strides = array<i32>} : memref<2x512xf32, #tpu.memory_space<vmem>>, vector<1x16xf32>,
    %get3A_512 = vector.shape_cast %get3A_511 : vector<1x16xf32> to vector<16xf32>
    %sub3A_513 = arith.subf %get3A_507, %get3A_512 : vector<16xf32>
    %swap3A_514 = arith.constant 240 : index
    %swap3A_515 = tpu.vector_load %arg6[%swap3A_514] {strides = array<i32>} : memref<512xf32, #tpu.memory_space<vmem>>, vector<16xf32>,
    %swap3A_516 = vector.shape_cast %swap3A_515 : vector<16xf32> to vector<16xf32>
    %swap3A_517 = vector.shape_cast %sub3A_513 : vector<16xf32> to vector<16xf32>
    tpu.vector_store %arg6[%swap3A_514], %swap3A_517 {strides = array<i32>} : memref<512xf32, #tpu.memory_space<vmem>>, vector<16xf32>,
    %get3A_518 = arith.constant 0 : i32
    %get3A_519 = arith.index_cast %get3A_518 : i32 to index
    %get3A_520 = arith.constant 240 : index
    %get3A_521 = tpu.vector_load %arg5[%get3A_519, %get3A_520] {strides = array<i32>} : memref<2x512xf32, #tpu.memory_space<vmem>>, vector<1x16xf32>,
    %get3A_522 = vector.shape_cast %get3A_521 : vector<1x16xf32> to vector<16xf32>
    %get3A_523 = arith.constant 1 : i32
    %get3A_524 = arith.index_cast %get3A_523 : i32 to index
    %get3A_525 = arith.constant 240 : index
    %get3A_526 = tpu.vector_load %arg4[%get3A_524, %get3A_525] {strides = array<i32>} : memref<2x512xf32, #tpu.memory_space<vmem>>, vector<1x16xf32>,
    %get3A_527 = vector.shape_cast %get3A_526 : vector<1x16xf32> to vector<16xf32>
    %sub3A_528 = arith.subf %get3A_522, %get3A_527 : vector<16xf32>
    %swap3A_529 = arith.constant 240 : index
    %swap3A_530 = tpu.vector_load %arg7[%swap3A_529] {strides = array<i32>} : memref<512xf32, #tpu.memory_space<vmem>>, vector<16xf32>,
    %swap3A_531 = vector.shape_cast %swap3A_530 : vector<16xf32> to vector<16xf32>
    %swap3A_532 = vector.shape_cast %sub3A_528 : vector<16xf32> to vector<16xf32>
    tpu.vector_store %arg7[%swap3A_529], %swap3A_532 {strides = array<i32>} : memref<512xf32, #tpu.memory_space<vmem>>, vector<16xf32>,
    %get3A_533 = arith.constant 1 : i32
    %get3A_534 = arith.index_cast %get3A_533 : i32 to index
    %get3A_535 = arith.constant 256 : index
    %get3A_536 = tpu.vector_load %arg5[%get3A_534, %get3A_535] {strides = array<i32>} : memref<2x512xf32, #tpu.memory_space<vmem>>, vector<1x16xf32>,
    %get3A_537 = vector.shape_cast %get3A_536 : vector<1x16xf32> to vector<16xf32>
    %get3A_538 = arith.constant 0 : i32
    %get3A_539 = arith.index_cast %get3A_538 : i32 to index
    %get3A_540 = arith.constant 256 : index
    %get3A_541 = tpu.vector_load %arg4[%get3A_539, %get3A_540] {strides = array<i32>} : memref<2x512xf32, #tpu.memory_space<vmem>>, vector<1x16xf32>,
    %get3A_542 = vector.shape_cast %get3A_541 : vector<1x16xf32> to vector<16xf32>
    %sub3A_543 = arith.subf %get3A_537, %get3A_542 : vector<16xf32>
    %swap3A_544 = arith.constant 256 : index
    %swap3A_545 = tpu.vector_load %arg6[%swap3A_544] {strides = array<i32>} : memref<512xf32, #tpu.memory_space<vmem>>, vector<16xf32>,
    %swap3A_546 = vector.shape_cast %swap3A_545 : vector<16xf32> to vector<16xf32>
    %swap3A_547 = vector.shape_cast %sub3A_543 : vector<16xf32> to vector<16xf32>
    tpu.vector_store %arg6[%swap3A_544], %swap3A_547 {strides = array<i32>} : memref<512xf32, #tpu.memory_space<vmem>>, vector<16xf32>,
    %get3A_548 = arith.constant 0 : i32
    %get3A_549 = arith.index_cast %get3A_548 : i32 to index
    %get3A_550 = arith.constant 256 : index
    %get3A_551 = tpu.vector_load %arg5[%get3A_549, %get3A_550] {strides = array<i32>} : memref<2x512xf32, #tpu.memory_space<vmem>>, vector<1x16xf32>,
    %get3A_552 = vector.shape_cast %get3A_551 : vector<1x16xf32> to vector<16xf32>
    %get3A_553 = arith.constant 1 : i32
    %get3A_554 = arith.index_cast %get3A_553 : i32 to index
    %get3A_555 = arith.constant 256 : index
    %get3A_556 = tpu.vector_load %arg4[%get3A_554, %get3A_555] {strides = array<i32>} : memref<2x512xf32, #tpu.memory_space<vmem>>, vector<1x16xf32>,
    %get3A_557 = vector.shape_cast %get3A_556 : vector<1x16xf32> to vector<16xf32>
    %sub3A_558 = arith.subf %get3A_552, %get3A_557 : vector<16xf32>
    %swap3A_559 = arith.constant 256 : index
    %swap3A_560 = tpu.vector_load %arg7[%swap3A_559] {strides = array<i32>} : memref<512xf32, #tpu.memory_space<vmem>>, vector<16xf32>,
    %swap3A_561 = vector.shape_cast %swap3A_560 : vector<16xf32> to vector<16xf32>
    %swap3A_562 = vector.shape_cast %sub3A_558 : vector<16xf32> to vector<16xf32>
    tpu.vector_store %arg7[%swap3A_559], %swap3A_562 {strides = array<i32>} : memref<512xf32, #tpu.memory_space<vmem>>, vector<16xf32>,
    %get3A_563 = arith.constant 1 : i32
    %get3A_564 = arith.index_cast %get3A_563 : i32 to index
    %get3A_565 = arith.constant 272 : index
    %get3A_566 = tpu.vector_load %arg5[%get3A_564, %get3A_565] {strides = array<i32>} : memref<2x512xf32, #tpu.memory_space<vmem>>, vector<1x16xf32>,
    %get3A_567 = vector.shape_cast %get3A_566 : vector<1x16xf32> to vector<16xf32>
    %get3A_568 = arith.constant 0 : i32
    %get3A_569 = arith.index_cast %get3A_568 : i32 to index
    %get3A_570 = arith.constant 272 : index
    %get3A_571 = tpu.vector_load %arg4[%get3A_569, %get3A_570] {strides = array<i32>} : memref<2x512xf32, #tpu.memory_space<vmem>>, vector<1x16xf32>,
    %get3A_572 = vector.shape_cast %get3A_571 : vector<1x16xf32> to vector<16xf32>
    %sub3A_573 = arith.subf %get3A_567, %get3A_572 : vector<16xf32>
    %swap3A_574 = arith.constant 272 : index
    %swap3A_575 = tpu.vector_load %arg6[%swap3A_574] {strides = array<i32>} : memref<512xf32, #tpu.memory_space<vmem>>, vector<16xf32>,
    %swap3A_576 = vector.shape_cast %swap3A_575 : vector<16xf32> to vector<16xf32>
    %swap3A_577 = vector.shape_cast %sub3A_573 : vector<16xf32> to vector<16xf32>
    tpu.vector_store %arg6[%swap3A_574], %swap3A_577 {strides = array<i32>} : memref<512xf32, #tpu.memory_space<vmem>>, vector<16xf32>,
    %get3A_578 = arith.constant 0 : i32
    %get3A_579 = arith.index_cast %get3A_578 : i32 to index
    %get3A_580 = arith.constant 272 : index
    %get3A_581 = tpu.vector_load %arg5[%get3A_579, %get3A_580] {strides = array<i32>} : memref<2x512xf32, #tpu.memory_space<vmem>>, vector<1x16xf32>,
    %get3A_582 = vector.shape_cast %get3A_581 : vector<1x16xf32> to vector<16xf32>
    %get3A_583 = arith.constant 1 : i32
    %get3A_584 = arith.index_cast %get3A_583 : i32 to index
    %get3A_585 = arith.constant 272 : index
    %get3A_586 = tpu.vector_load %arg4[%get3A_584, %get3A_585] {strides = array<i32>} : memref<2x512xf32, #tpu.memory_space<vmem>>, vector<1x16xf32>,
    %get3A_587 = vector.shape_cast %get3A_586 : vector<1x16xf32> to vector<16xf32>
    %sub3A_588 = arith.subf %get3A_582, %get3A_587 : vector<16xf32>
    %swap3A_589 = arith.constant 272 : index
    %swap3A_590 = tpu.vector_load %arg7[%swap3A_589] {strides = array<i32>} : memref<512xf32, #tpu.memory_space<vmem>>, vector<16xf32>,
    %swap3A_591 = vector.shape_cast %swap3A_590 : vector<16xf32> to vector<16xf32>
    %swap3A_592 = vector.shape_cast %sub3A_588 : vector<16xf32> to vector<16xf32>
    tpu.vector_store %arg7[%swap3A_589], %swap3A_592 {strides = array<i32>} : memref<512xf32, #tpu.memory_space<vmem>>, vector<16xf32>,
    %get3A_593 = arith.constant 1 : i32
    %get3A_594 = arith.index_cast %get3A_593 : i32 to index
    %get3A_595 = arith.constant 288 : index
    %get3A_596 = tpu.vector_load %arg5[%get3A_594, %get3A_595] {strides = array<i32>} : memref<2x512xf32, #tpu.memory_space<vmem>>, vector<1x16xf32>,
    %get3A_597 = vector.shape_cast %get3A_596 : vector<1x16xf32> to vector<16xf32>
    %get3A_598 = arith.constant 0 : i32
    %get3A_599 = arith.index_cast %get3A_598 : i32 to index
    %get3A_600 = arith.constant 288 : index
    %get3A_601 = tpu.vector_load %arg4[%get3A_599, %get3A_600] {strides = array<i32>} : memref<2x512xf32, #tpu.memory_space<vmem>>, vector<1x16xf32>,
    %get3A_602 = vector.shape_cast %get3A_601 : vector<1x16xf32> to vector<16xf32>
    %sub3A_603 = arith.subf %get3A_597, %get3A_602 : vector<16xf32>
    %swap3A_604 = arith.constant 288 : index
    %swap3A_605 = tpu.vector_load %arg6[%swap3A_604] {strides = array<i32>} : memref<512xf32, #tpu.memory_space<vmem>>, vector<16xf32>,
    %swap3A_606 = vector.shape_cast %swap3A_605 : vector<16xf32> to vector<16xf32>
    %swap3A_607 = vector.shape_cast %sub3A_603 : vector<16xf32> to vector<16xf32>
    tpu.vector_store %arg6[%swap3A_604], %swap3A_607 {strides = array<i32>} : memref<512xf32, #tpu.memory_space<vmem>>, vector<16xf32>,
    %get3A_608 = arith.constant 0 : i32
    %get3A_609 = arith.index_cast %get3A_608 : i32 to index
    %get3A_610 = arith.constant 288 : index
    %get3A_611 = tpu.vector_load %arg5[%get3A_609, %get3A_610] {strides = array<i32>} : memref<2x512xf32, #tpu.memory_space<vmem>>, vector<1x16xf32>,
    %get3A_612 = vector.shape_cast %get3A_611 : vector<1x16xf32> to vector<16xf32>
    %get3A_613 = arith.constant 1 : i32
    %get3A_614 = arith.index_cast %get3A_613 : i32 to index
    %get3A_615 = arith.constant 288 : index
    %get3A_616 = tpu.vector_load %arg4[%get3A_614, %get3A_615] {strides = array<i32>} : memref<2x512xf32, #tpu.memory_space<vmem>>, vector<1x16xf32>,
    %get3A_617 = vector.shape_cast %get3A_616 : vector<1x16xf32> to vector<16xf32>
    %sub3A_618 = arith.subf %get3A_612, %get3A_617 : vector<16xf32>
    %swap3A_619 = arith.constant 288 : index
    %swap3A_620 = tpu.vector_load %arg7[%swap3A_619] {strides = array<i32>} : memref<512xf32, #tpu.memory_space<vmem>>, vector<16xf32>,
    %swap3A_621 = vector.shape_cast %swap3A_620 : vector<16xf32> to vector<16xf32>
    %swap3A_622 = vector.shape_cast %sub3A_618 : vector<16xf32> to vector<16xf32>
    tpu.vector_store %arg7[%swap3A_619], %swap3A_622 {strides = array<i32>} : memref<512xf32, #tpu.memory_space<vmem>>, vector<16xf32>,
    %get3A_623 = arith.constant 1 : i32
    %get3A_624 = arith.index_cast %get3A_623 : i32 to index
    %get3A_625 = arith.constant 304 : index
    %get3A_626 = tpu.vector_load %arg5[%get3A_624, %get3A_625] {strides = array<i32>} : memref<2x512xf32, #tpu.memory_space<vmem>>, vector<1x16xf32>,
    %get3A_627 = vector.shape_cast %get3A_626 : vector<1x16xf32> to vector<16xf32>
    %get3A_628 = arith.constant 0 : i32
    %get3A_629 = arith.index_cast %get3A_628 : i32 to index
    %get3A_630 = arith.constant 304 : index
    %get3A_631 = tpu.vector_load %arg4[%get3A_629, %get3A_630] {strides = array<i32>} : memref<2x512xf32, #tpu.memory_space<vmem>>, vector<1x16xf32>,
    %get3A_632 = vector.shape_cast %get3A_631 : vector<1x16xf32> to vector<16xf32>
    %sub3A_633 = arith.subf %get3A_627, %get3A_632 : vector<16xf32>
    %swap3A_634 = arith.constant 304 : index
    %swap3A_635 = tpu.vector_load %arg6[%swap3A_634] {strides = array<i32>} : memref<512xf32, #tpu.memory_space<vmem>>, vector<16xf32>,
    %swap3A_636 = vector.shape_cast %swap3A_635 : vector<16xf32> to vector<16xf32>
    %swap3A_637 = vector.shape_cast %sub3A_633 : vector<16xf32> to vector<16xf32>
    tpu.vector_store %arg6[%swap3A_634], %swap3A_637 {strides = array<i32>} : memref<512xf32, #tpu.memory_space<vmem>>, vector<16xf32>,
    %get3A_638 = arith.constant 0 : i32
    %get3A_639 = arith.index_cast %get3A_638 : i32 to index
    %get3A_640 = arith.constant 304 : index
    %get3A_641 = tpu.vector_load %arg5[%get3A_639, %get3A_640] {strides = array<i32>} : memref<2x512xf32, #tpu.memory_space<vmem>>, vector<1x16xf32>,
    %get3A_642 = vector.shape_cast %get3A_641 : vector<1x16xf32> to vector<16xf32>
    %get3A_643 = arith.constant 1 : i32
    %get3A_644 = arith.index_cast %get3A_643 : i32 to index
    %get3A_645 = arith.constant 304 : index
    %get3A_646 = tpu.vector_load %arg4[%get3A_644, %get3A_645] {strides = array<i32>} : memref<2x512xf32, #tpu.memory_space<vmem>>, vector<1x16xf32>,
    %get3A_647 = vector.shape_cast %get3A_646 : vector<1x16xf32> to vector<16xf32>
    %sub3A_648 = arith.subf %get3A_642, %get3A_647 : vector<16xf32>
    %swap3A_649 = arith.constant 304 : index
    %swap3A_650 = tpu.vector_load %arg7[%swap3A_649] {strides = array<i32>} : memref<512xf32, #tpu.memory_space<vmem>>, vector<16xf32>,
    %swap3A_651 = vector.shape_cast %swap3A_650 : vector<16xf32> to vector<16xf32>
    %swap3A_652 = vector.shape_cast %sub3A_648 : vector<16xf32> to vector<16xf32>
    tpu.vector_store %arg7[%swap3A_649], %swap3A_652 {strides = array<i32>} : memref<512xf32, #tpu.memory_space<vmem>>, vector<16xf32>,
    %get3A_653 = arith.constant 1 : i32
    %get3A_654 = arith.index_cast %get3A_653 : i32 to index
    %get3A_655 = arith.constant 320 : index
    %get3A_656 = tpu.vector_load %arg5[%get3A_654, %get3A_655] {strides = array<i32>} : memref<2x512xf32, #tpu.memory_space<vmem>>, vector<1x16xf32>,
    %get3A_657 = vector.shape_cast %get3A_656 : vector<1x16xf32> to vector<16xf32>
    %get3A_658 = arith.constant 0 : i32
    %get3A_659 = arith.index_cast %get3A_658 : i32 to index
    %get3A_660 = arith.constant 320 : index
    %get3A_661 = tpu.vector_load %arg4[%get3A_659, %get3A_660] {strides = array<i32>} : memref<2x512xf32, #tpu.memory_space<vmem>>, vector<1x16xf32>,
    %get3A_662 = vector.shape_cast %get3A_661 : vector<1x16xf32> to vector<16xf32>
    %sub3A_663 = arith.subf %get3A_657, %get3A_662 : vector<16xf32>
    %swap3A_664 = arith.constant 320 : index
    %swap3A_665 = tpu.vector_load %arg6[%swap3A_664] {strides = array<i32>} : memref<512xf32, #tpu.memory_space<vmem>>, vector<16xf32>,
    %swap3A_666 = vector.shape_cast %swap3A_665 : vector<16xf32> to vector<16xf32>
    %swap3A_667 = vector.shape_cast %sub3A_663 : vector<16xf32> to vector<16xf32>
    tpu.vector_store %arg6[%swap3A_664], %swap3A_667 {strides = array<i32>} : memref<512xf32, #tpu.memory_space<vmem>>, vector<16xf32>,
    %get3A_668 = arith.constant 0 : i32
    %get3A_669 = arith.index_cast %get3A_668 : i32 to index
    %get3A_670 = arith.constant 320 : index
    %get3A_671 = tpu.vector_load %arg5[%get3A_669, %get3A_670] {strides = array<i32>} : memref<2x512xf32, #tpu.memory_space<vmem>>, vector<1x16xf32>,
    %get3A_672 = vector.shape_cast %get3A_671 : vector<1x16xf32> to vector<16xf32>
    %get3A_673 = arith.constant 1 : i32
    %get3A_674 = arith.index_cast %get3A_673 : i32 to index
    %get3A_675 = arith.constant 320 : index
    %get3A_676 = tpu.vector_load %arg4[%get3A_674, %get3A_675] {strides = array<i32>} : memref<2x512xf32, #tpu.memory_space<vmem>>, vector<1x16xf32>,
    %get3A_677 = vector.shape_cast %get3A_676 : vector<1x16xf32> to vector<16xf32>
    %sub3A_678 = arith.subf %get3A_672, %get3A_677 : vector<16xf32>
    %swap3A_679 = arith.constant 320 : index
    %swap3A_680 = tpu.vector_load %arg7[%swap3A_679] {strides = array<i32>} : memref<512xf32, #tpu.memory_space<vmem>>, vector<16xf32>,
    %swap3A_681 = vector.shape_cast %swap3A_680 : vector<16xf32> to vector<16xf32>
    %swap3A_682 = vector.shape_cast %sub3A_678 : vector<16xf32> to vector<16xf32>
    tpu.vector_store %arg7[%swap3A_679], %swap3A_682 {strides = array<i32>} : memref<512xf32, #tpu.memory_space<vmem>>, vector<16xf32>,
    %get3A_683 = arith.constant 1 : i32
    %get3A_684 = arith.index_cast %get3A_683 : i32 to index
    %get3A_685 = arith.constant 336 : index
    %get3A_686 = tpu.vector_load %arg5[%get3A_684, %get3A_685] {strides = array<i32>} : memref<2x512xf32, #tpu.memory_space<vmem>>, vector<1x16xf32>,
    %get3A_687 = vector.shape_cast %get3A_686 : vector<1x16xf32> to vector<16xf32>
    %get3A_688 = arith.constant 0 : i32
    %get3A_689 = arith.index_cast %get3A_688 : i32 to index
    %get3A_690 = arith.constant 336 : index
    %get3A_691 = tpu.vector_load %arg4[%get3A_689, %get3A_690] {strides = array<i32>} : memref<2x512xf32, #tpu.memory_space<vmem>>, vector<1x16xf32>,
    %get3A_692 = vector.shape_cast %get3A_691 : vector<1x16xf32> to vector<16xf32>
    %sub3A_693 = arith.subf %get3A_687, %get3A_692 : vector<16xf32>
    %swap3A_694 = arith.constant 336 : index
    %swap3A_695 = tpu.vector_load %arg6[%swap3A_694] {strides = array<i32>} : memref<512xf32, #tpu.memory_space<vmem>>, vector<16xf32>,
    %swap3A_696 = vector.shape_cast %swap3A_695 : vector<16xf32> to vector<16xf32>
    %swap3A_697 = vector.shape_cast %sub3A_693 : vector<16xf32> to vector<16xf32>
    tpu.vector_store %arg6[%swap3A_694], %swap3A_697 {strides = array<i32>} : memref<512xf32, #tpu.memory_space<vmem>>, vector<16xf32>,
    %get3A_698 = arith.constant 0 : i32
    %get3A_699 = arith.index_cast %get3A_698 : i32 to index
    %get3A_700 = arith.constant 336 : index
    %get3A_701 = tpu.vector_load %arg5[%get3A_699, %get3A_700] {strides = array<i32>} : memref<2x512xf32, #tpu.memory_space<vmem>>, vector<1x16xf32>,
    %get3A_702 = vector.shape_cast %get3A_701 : vector<1x16xf32> to vector<16xf32>
    %get3A_703 = arith.constant 1 : i32
    %get3A_704 = arith.index_cast %get3A_703 : i32 to index
    %get3A_705 = arith.constant 336 : index
    %get3A_706 = tpu.vector_load %arg4[%get3A_704, %get3A_705] {strides = array<i32>} : memref<2x512xf32, #tpu.memory_space<vmem>>, vector<1x16xf32>,
    %get3A_707 = vector.shape_cast %get3A_706 : vector<1x16xf32> to vector<16xf32>
    %sub3A_708 = arith.subf %get3A_702, %get3A_707 : vector<16xf32>
    %swap3A_709 = arith.constant 336 : index
    %swap3A_710 = tpu.vector_load %arg7[%swap3A_709] {strides = array<i32>} : memref<512xf32, #tpu.memory_space<vmem>>, vector<16xf32>,
    %swap3A_711 = vector.shape_cast %swap3A_710 : vector<16xf32> to vector<16xf32>
    %swap3A_712 = vector.shape_cast %sub3A_708 : vector<16xf32> to vector<16xf32>
    tpu.vector_store %arg7[%swap3A_709], %swap3A_712 {strides = array<i32>} : memref<512xf32, #tpu.memory_space<vmem>>, vector<16xf32>,
    %get3A_713 = arith.constant 1 : i32
    %get3A_714 = arith.index_cast %get3A_713 : i32 to index
    %get3A_715 = arith.constant 352 : index
    %get3A_716 = tpu.vector_load %arg5[%get3A_714, %get3A_715] {strides = array<i32>} : memref<2x512xf32, #tpu.memory_space<vmem>>, vector<1x16xf32>,
    %get3A_717 = vector.shape_cast %get3A_716 : vector<1x16xf32> to vector<16xf32>
    %get3A_718 = arith.constant 0 : i32
    %get3A_719 = arith.index_cast %get3A_718 : i32 to index
    %get3A_720 = arith.constant 352 : index
    %get3A_721 = tpu.vector_load %arg4[%get3A_719, %get3A_720] {strides = array<i32>} : memref<2x512xf32, #tpu.memory_space<vmem>>, vector<1x16xf32>,
    %get3A_722 = vector.shape_cast %get3A_721 : vector<1x16xf32> to vector<16xf32>
    %sub3A_723 = arith.subf %get3A_717, %get3A_722 : vector<16xf32>
    %swap3A_724 = arith.constant 352 : index
    %swap3A_725 = tpu.vector_load %arg6[%swap3A_724] {strides = array<i32>} : memref<512xf32, #tpu.memory_space<vmem>>, vector<16xf32>,
    %swap3A_726 = vector.shape_cast %swap3A_725 : vector<16xf32> to vector<16xf32>
    %swap3A_727 = vector.shape_cast %sub3A_723 : vector<16xf32> to vector<16xf32>
    tpu.vector_store %arg6[%swap3A_724], %swap3A_727 {strides = array<i32>} : memref<512xf32, #tpu.memory_space<vmem>>, vector<16xf32>,
    %get3A_728 = arith.constant 0 : i32
    %get3A_729 = arith.index_cast %get3A_728 : i32 to index
    %get3A_730 = arith.constant 352 : index
    %get3A_731 = tpu.vector_load %arg5[%get3A_729, %get3A_730] {strides = array<i32>} : memref<2x512xf32, #tpu.memory_space<vmem>>, vector<1x16xf32>,
    %get3A_732 = vector.shape_cast %get3A_731 : vector<1x16xf32> to vector<16xf32>
    %get3A_733 = arith.constant 1 : i32
    %get3A_734 = arith.index_cast %get3A_733 : i32 to index
    %get3A_735 = arith.constant 352 : index
    %get3A_736 = tpu.vector_load %arg4[%get3A_734, %get3A_735] {strides = array<i32>} : memref<2x512xf32, #tpu.memory_space<vmem>>, vector<1x16xf32>,
    %get3A_737 = vector.shape_cast %get3A_736 : vector<1x16xf32> to vector<16xf32>
    %sub3A_738 = arith.subf %get3A_732, %get3A_737 : vector<16xf32>
    %swap3A_739 = arith.constant 352 : index
    %swap3A_740 = tpu.vector_load %arg7[%swap3A_739] {strides = array<i32>} : memref<512xf32, #tpu.memory_space<vmem>>, vector<16xf32>,
    %swap3A_741 = vector.shape_cast %swap3A_740 : vector<16xf32> to vector<16xf32>
    %swap3A_742 = vector.shape_cast %sub3A_738 : vector<16xf32> to vector<16xf32>
    tpu.vector_store %arg7[%swap3A_739], %swap3A_742 {strides = array<i32>} : memref<512xf32, #tpu.memory_space<vmem>>, vector<16xf32>,
    %get3A_743 = arith.constant 1 : i32
    %get3A_744 = arith.index_cast %get3A_743 : i32 to index
    %get3A_745 = arith.constant 368 : index
    %get3A_746 = tpu.vector_load %arg5[%get3A_744, %get3A_745] {strides = array<i32>} : memref<2x512xf32, #tpu.memory_space<vmem>>, vector<1x16xf32>,
    %get3A_747 = vector.shape_cast %get3A_746 : vector<1x16xf32> to vector<16xf32>
    %get3A_748 = arith.constant 0 : i32
    %get3A_749 = arith.index_cast %get3A_748 : i32 to index
    %get3A_750 = arith.constant 368 : index
    %get3A_751 = tpu.vector_load %arg4[%get3A_749, %get3A_750] {strides = array<i32>} : memref<2x512xf32, #tpu.memory_space<vmem>>, vector<1x16xf32>,
    %get3A_752 = vector.shape_cast %get3A_751 : vector<1x16xf32> to vector<16xf32>
    %sub3A_753 = arith.subf %get3A_747, %get3A_752 : vector<16xf32>
    %swap3A_754 = arith.constant 368 : index
    %swap3A_755 = tpu.vector_load %arg6[%swap3A_754] {strides = array<i32>} : memref<512xf32, #tpu.memory_space<vmem>>, vector<16xf32>,
    %swap3A_756 = vector.shape_cast %swap3A_755 : vector<16xf32> to vector<16xf32>
    %swap3A_757 = vector.shape_cast %sub3A_753 : vector<16xf32> to vector<16xf32>
    tpu.vector_store %arg6[%swap3A_754], %swap3A_757 {strides = array<i32>} : memref<512xf32, #tpu.memory_space<vmem>>, vector<16xf32>,
    %get3A_758 = arith.constant 0 : i32
    %get3A_759 = arith.index_cast %get3A_758 : i32 to index
    %get3A_760 = arith.constant 368 : index
    %get3A_761 = tpu.vector_load %arg5[%get3A_759, %get3A_760] {strides = array<i32>} : memref<2x512xf32, #tpu.memory_space<vmem>>, vector<1x16xf32>,
    %get3A_762 = vector.shape_cast %get3A_761 : vector<1x16xf32> to vector<16xf32>
    %get3A_763 = arith.constant 1 : i32
    %get3A_764 = arith.index_cast %get3A_763 : i32 to index
    %get3A_765 = arith.constant 368 : index
    %get3A_766 = tpu.vector_load %arg4[%get3A_764, %get3A_765] {strides = array<i32>} : memref<2x512xf32, #tpu.memory_space<vmem>>, vector<1x16xf32>,
    %get3A_767 = vector.shape_cast %get3A_766 : vector<1x16xf32> to vector<16xf32>
    %sub3A_768 = arith.subf %get3A_762, %get3A_767 : vector<16xf32>
    %swap3A_769 = arith.constant 368 : index
    %swap3A_770 = tpu.vector_load %arg7[%swap3A_769] {strides = array<i32>} : memref<512xf32, #tpu.memory_space<vmem>>, vector<16xf32>,
    %swap3A_771 = vector.shape_cast %swap3A_770 : vector<16xf32> to vector<16xf32>
    %swap3A_772 = vector.shape_cast %sub3A_768 : vector<16xf32> to vector<16xf32>
    tpu.vector_store %arg7[%swap3A_769], %swap3A_772 {strides = array<i32>} : memref<512xf32, #tpu.memory_space<vmem>>, vector<16xf32>,
    %get3A_773 = arith.constant 1 : i32
    %get3A_774 = arith.index_cast %get3A_773 : i32 to index
    %get3A_775 = arith.constant 384 : index
    %get3A_776 = tpu.vector_load %arg5[%get3A_774, %get3A_775] {strides = array<i32>} : memref<2x512xf32, #tpu.memory_space<vmem>>, vector<1x16xf32>,
    %get3A_777 = vector.shape_cast %get3A_776 : vector<1x16xf32> to vector<16xf32>
    %get3A_778 = arith.constant 0 : i32
    %get3A_779 = arith.index_cast %get3A_778 : i32 to index
    %get3A_780 = arith.constant 384 : index
    %get3A_781 = tpu.vector_load %arg4[%get3A_779, %get3A_780] {strides = array<i32>} : memref<2x512xf32, #tpu.memory_space<vmem>>, vector<1x16xf32>,
    %get3A_782 = vector.shape_cast %get3A_781 : vector<1x16xf32> to vector<16xf32>
    %sub3A_783 = arith.subf %get3A_777, %get3A_782 : vector<16xf32>
    %swap3A_784 = arith.constant 384 : index
    %swap3A_785 = tpu.vector_load %arg6[%swap3A_784] {strides = array<i32>} : memref<512xf32, #tpu.memory_space<vmem>>, vector<16xf32>,
    %swap3A_786 = vector.shape_cast %swap3A_785 : vector<16xf32> to vector<16xf32>
    %swap3A_787 = vector.shape_cast %sub3A_783 : vector<16xf32> to vector<16xf32>
    tpu.vector_store %arg6[%swap3A_784], %swap3A_787 {strides = array<i32>} : memref<512xf32, #tpu.memory_space<vmem>>, vector<16xf32>,
    %get3A_788 = arith.constant 0 : i32
    %get3A_789 = arith.index_cast %get3A_788 : i32 to index
    %get3A_790 = arith.constant 384 : index
    %get3A_791 = tpu.vector_load %arg5[%get3A_789, %get3A_790] {strides = array<i32>} : memref<2x512xf32, #tpu.memory_space<vmem>>, vector<1x16xf32>,
    %get3A_792 = vector.shape_cast %get3A_791 : vector<1x16xf32> to vector<16xf32>
    %get3A_793 = arith.constant 1 : i32
    %get3A_794 = arith.index_cast %get3A_793 : i32 to index
    %get3A_795 = arith.constant 384 : index
    %get3A_796 = tpu.vector_load %arg4[%get3A_794, %get3A_795] {strides = array<i32>} : memref<2x512xf32, #tpu.memory_space<vmem>>, vector<1x16xf32>,
    %get3A_797 = vector.shape_cast %get3A_796 : vector<1x16xf32> to vector<16xf32>
    %sub3A_798 = arith.subf %get3A_792, %get3A_797 : vector<16xf32>
    %swap3A_799 = arith.constant 384 : index
    %swap3A_800 = tpu.vector_load %arg7[%swap3A_799] {strides = array<i32>} : memref<512xf32, #tpu.memory_space<vmem>>, vector<16xf32>,
    %swap3A_801 = vector.shape_cast %swap3A_800 : vector<16xf32> to vector<16xf32>
    %swap3A_802 = vector.shape_cast %sub3A_798 : vector<16xf32> to vector<16xf32>
    tpu.vector_store %arg7[%swap3A_799], %swap3A_802 {strides = array<i32>} : memref<512xf32, #tpu.memory_space<vmem>>, vector<16xf32>,
    %get3A_803 = arith.constant 1 : i32
    %get3A_804 = arith.index_cast %get3A_803 : i32 to index
    %get3A_805 = arith.constant 400 : index
    %get3A_806 = tpu.vector_load %arg5[%get3A_804, %get3A_805] {strides = array<i32>} : memref<2x512xf32, #tpu.memory_space<vmem>>, vector<1x16xf32>,
    %get3A_807 = vector.shape_cast %get3A_806 : vector<1x16xf32> to vector<16xf32>
    %get3A_808 = arith.constant 0 : i32
    %get3A_809 = arith.index_cast %get3A_808 : i32 to index
    %get3A_810 = arith.constant 400 : index
    %get3A_811 = tpu.vector_load %arg4[%get3A_809, %get3A_810] {strides = array<i32>} : memref<2x512xf32, #tpu.memory_space<vmem>>, vector<1x16xf32>,
    %get3A_812 = vector.shape_cast %get3A_811 : vector<1x16xf32> to vector<16xf32>
    %sub3A_813 = arith.subf %get3A_807, %get3A_812 : vector<16xf32>
    %swap3A_814 = arith.constant 400 : index
    %swap3A_815 = tpu.vector_load %arg6[%swap3A_814] {strides = array<i32>} : memref<512xf32, #tpu.memory_space<vmem>>, vector<16xf32>,
    %swap3A_816 = vector.shape_cast %swap3A_815 : vector<16xf32> to vector<16xf32>
    %swap3A_817 = vector.shape_cast %sub3A_813 : vector<16xf32> to vector<16xf32>
    tpu.vector_store %arg6[%swap3A_814], %swap3A_817 {strides = array<i32>} : memref<512xf32, #tpu.memory_space<vmem>>, vector<16xf32>,
    %get3A_818 = arith.constant 0 : i32
    %get3A_819 = arith.index_cast %get3A_818 : i32 to index
    %get3A_820 = arith.constant 400 : index
    %get3A_821 = tpu.vector_load %arg5[%get3A_819, %get3A_820] {strides = array<i32>} : memref<2x512xf32, #tpu.memory_space<vmem>>, vector<1x16xf32>,
    %get3A_822 = vector.shape_cast %get3A_821 : vector<1x16xf32> to vector<16xf32>
    %get3A_823 = arith.constant 1 : i32
    %get3A_824 = arith.index_cast %get3A_823 : i32 to index
    %get3A_825 = arith.constant 400 : index
    %get3A_826 = tpu.vector_load %arg4[%get3A_824, %get3A_825] {strides = array<i32>} : memref<2x512xf32, #tpu.memory_space<vmem>>, vector<1x16xf32>,
    %get3A_827 = vector.shape_cast %get3A_826 : vector<1x16xf32> to vector<16xf32>
    %sub3A_828 = arith.subf %get3A_822, %get3A_827 : vector<16xf32>
    %swap3A_829 = arith.constant 400 : index
    %swap3A_830 = tpu.vector_load %arg7[%swap3A_829] {strides = array<i32>} : memref<512xf32, #tpu.memory_space<vmem>>, vector<16xf32>,
    %swap3A_831 = vector.shape_cast %swap3A_830 : vector<16xf32> to vector<16xf32>
    %swap3A_832 = vector.shape_cast %sub3A_828 : vector<16xf32> to vector<16xf32>
    tpu.vector_store %arg7[%swap3A_829], %swap3A_832 {strides = array<i32>} : memref<512xf32, #tpu.memory_space<vmem>>, vector<16xf32>,
    %get3A_833 = arith.constant 1 : i32
    %get3A_834 = arith.index_cast %get3A_833 : i32 to index
    %get3A_835 = arith.constant 416 : index
    %get3A_836 = tpu.vector_load %arg5[%get3A_834, %get3A_835] {strides = array<i32>} : memref<2x512xf32, #tpu.memory_space<vmem>>, vector<1x16xf32>,
    %get3A_837 = vector.shape_cast %get3A_836 : vector<1x16xf32> to vector<16xf32>
    %get3A_838 = arith.constant 0 : i32
    %get3A_839 = arith.index_cast %get3A_838 : i32 to index
    %get3A_840 = arith.constant 416 : index
    %get3A_841 = tpu.vector_load %arg4[%get3A_839, %get3A_840] {strides = array<i32>} : memref<2x512xf32, #tpu.memory_space<vmem>>, vector<1x16xf32>,
    %get3A_842 = vector.shape_cast %get3A_841 : vector<1x16xf32> to vector<16xf32>
    %sub3A_843 = arith.subf %get3A_837, %get3A_842 : vector<16xf32>
    %swap3A_844 = arith.constant 416 : index
    %swap3A_845 = tpu.vector_load %arg6[%swap3A_844] {strides = array<i32>} : memref<512xf32, #tpu.memory_space<vmem>>, vector<16xf32>,
    %swap3A_846 = vector.shape_cast %swap3A_845 : vector<16xf32> to vector<16xf32>
    %swap3A_847 = vector.shape_cast %sub3A_843 : vector<16xf32> to vector<16xf32>
    tpu.vector_store %arg6[%swap3A_844], %swap3A_847 {strides = array<i32>} : memref<512xf32, #tpu.memory_space<vmem>>, vector<16xf32>,
    %get3A_848 = arith.constant 0 : i32
    %get3A_849 = arith.index_cast %get3A_848 : i32 to index
    %get3A_850 = arith.constant 416 : index
    %get3A_851 = tpu.vector_load %arg5[%get3A_849, %get3A_850] {strides = array<i32>} : memref<2x512xf32, #tpu.memory_space<vmem>>, vector<1x16xf32>,
    %get3A_852 = vector.shape_cast %get3A_851 : vector<1x16xf32> to vector<16xf32>
    %get3A_853 = arith.constant 1 : i32
    %get3A_854 = arith.index_cast %get3A_853 : i32 to index
    %get3A_855 = arith.constant 416 : index
    %get3A_856 = tpu.vector_load %arg4[%get3A_854, %get3A_855] {strides = array<i32>} : memref<2x512xf32, #tpu.memory_space<vmem>>, vector<1x16xf32>,
    %get3A_857 = vector.shape_cast %get3A_856 : vector<1x16xf32> to vector<16xf32>
    %sub3A_858 = arith.subf %get3A_852, %get3A_857 : vector<16xf32>
    %swap3A_859 = arith.constant 416 : index
    %swap3A_860 = tpu.vector_load %arg7[%swap3A_859] {strides = array<i32>} : memref<512xf32, #tpu.memory_space<vmem>>, vector<16xf32>,
    %swap3A_861 = vector.shape_cast %swap3A_860 : vector<16xf32> to vector<16xf32>
    %swap3A_862 = vector.shape_cast %sub3A_858 : vector<16xf32> to vector<16xf32>
    tpu.vector_store %arg7[%swap3A_859], %swap3A_862 {strides = array<i32>} : memref<512xf32, #tpu.memory_space<vmem>>, vector<16xf32>,
    %get3A_863 = arith.constant 1 : i32
    %get3A_864 = arith.index_cast %get3A_863 : i32 to index
    %get3A_865 = arith.constant 432 : index
    %get3A_866 = tpu.vector_load %arg5[%get3A_864, %get3A_865] {strides = array<i32>} : memref<2x512xf32, #tpu.memory_space<vmem>>, vector<1x16xf32>,
    %get3A_867 = vector.shape_cast %get3A_866 : vector<1x16xf32> to vector<16xf32>
    %get3A_868 = arith.constant 0 : i32
    %get3A_869 = arith.index_cast %get3A_868 : i32 to index
    %get3A_870 = arith.constant 432 : index
    %get3A_871 = tpu.vector_load %arg4[%get3A_869, %get3A_870] {strides = array<i32>} : memref<2x512xf32, #tpu.memory_space<vmem>>, vector<1x16xf32>,
    %get3A_872 = vector.shape_cast %get3A_871 : vector<1x16xf32> to vector<16xf32>
    %sub3A_873 = arith.subf %get3A_867, %get3A_872 : vector<16xf32>
    %swap3A_874 = arith.constant 432 : index
    %swap3A_875 = tpu.vector_load %arg6[%swap3A_874] {strides = array<i32>} : memref<512xf32, #tpu.memory_space<vmem>>, vector<16xf32>,
    %swap3A_876 = vector.shape_cast %swap3A_875 : vector<16xf32> to vector<16xf32>
    %swap3A_877 = vector.shape_cast %sub3A_873 : vector<16xf32> to vector<16xf32>
    tpu.vector_store %arg6[%swap3A_874], %swap3A_877 {strides = array<i32>} : memref<512xf32, #tpu.memory_space<vmem>>, vector<16xf32>,
    %get3A_878 = arith.constant 0 : i32
    %get3A_879 = arith.index_cast %get3A_878 : i32 to index
    %get3A_880 = arith.constant 432 : index
    %get3A_881 = tpu.vector_load %arg5[%get3A_879, %get3A_880] {strides = array<i32>} : memref<2x512xf32, #tpu.memory_space<vmem>>, vector<1x16xf32>,
    %get3A_882 = vector.shape_cast %get3A_881 : vector<1x16xf32> to vector<16xf32>
    %get3A_883 = arith.constant 1 : i32
    %get3A_884 = arith.index_cast %get3A_883 : i32 to index
    %get3A_885 = arith.constant 432 : index
    %get3A_886 = tpu.vector_load %arg4[%get3A_884, %get3A_885] {strides = array<i32>} : memref<2x512xf32, #tpu.memory_space<vmem>>, vector<1x16xf32>,
    %get3A_887 = vector.shape_cast %get3A_886 : vector<1x16xf32> to vector<16xf32>
    %sub3A_888 = arith.subf %get3A_882, %get3A_887 : vector<16xf32>
    %swap3A_889 = arith.constant 432 : index
    %swap3A_890 = tpu.vector_load %arg7[%swap3A_889] {strides = array<i32>} : memref<512xf32, #tpu.memory_space<vmem>>, vector<16xf32>,
    %swap3A_891 = vector.shape_cast %swap3A_890 : vector<16xf32> to vector<16xf32>
    %swap3A_892 = vector.shape_cast %sub3A_888 : vector<16xf32> to vector<16xf32>
    tpu.vector_store %arg7[%swap3A_889], %swap3A_892 {strides = array<i32>} : memref<512xf32, #tpu.memory_space<vmem>>, vector<16xf32>,
    %get3A_893 = arith.constant 1 : i32
    %get3A_894 = arith.index_cast %get3A_893 : i32 to index
    %get3A_895 = arith.constant 448 : index
    %get3A_896 = tpu.vector_load %arg5[%get3A_894, %get3A_895] {strides = array<i32>} : memref<2x512xf32, #tpu.memory_space<vmem>>, vector<1x16xf32>,
    %get3A_897 = vector.shape_cast %get3A_896 : vector<1x16xf32> to vector<16xf32>
    %get3A_898 = arith.constant 0 : i32
    %get3A_899 = arith.index_cast %get3A_898 : i32 to index
    %get3A_900 = arith.constant 448 : index
    %get3A_901 = tpu.vector_load %arg4[%get3A_899, %get3A_900] {strides = array<i32>} : memref<2x512xf32, #tpu.memory_space<vmem>>, vector<1x16xf32>,
    %get3A_902 = vector.shape_cast %get3A_901 : vector<1x16xf32> to vector<16xf32>
    %sub3A_903 = arith.subf %get3A_897, %get3A_902 : vector<16xf32>
    %swap3A_904 = arith.constant 448 : index
    %swap3A_905 = tpu.vector_load %arg6[%swap3A_904] {strides = array<i32>} : memref<512xf32, #tpu.memory_space<vmem>>, vector<16xf32>,
    %swap3A_906 = vector.shape_cast %swap3A_905 : vector<16xf32> to vector<16xf32>
    %swap3A_907 = vector.shape_cast %sub3A_903 : vector<16xf32> to vector<16xf32>
    tpu.vector_store %arg6[%swap3A_904], %swap3A_907 {strides = array<i32>} : memref<512xf32, #tpu.memory_space<vmem>>, vector<16xf32>,
    %get3A_908 = arith.constant 0 : i32
    %get3A_909 = arith.index_cast %get3A_908 : i32 to index
    %get3A_910 = arith.constant 448 : index
    %get3A_911 = tpu.vector_load %arg5[%get3A_909, %get3A_910] {strides = array<i32>} : memref<2x512xf32, #tpu.memory_space<vmem>>, vector<1x16xf32>,
    %get3A_912 = vector.shape_cast %get3A_911 : vector<1x16xf32> to vector<16xf32>
    %get3A_913 = arith.constant 1 : i32
    %get3A_914 = arith.index_cast %get3A_913 : i32 to index
    %get3A_915 = arith.constant 448 : index
    %get3A_916 = tpu.vector_load %arg4[%get3A_914, %get3A_915] {strides = array<i32>} : memref<2x512xf32, #tpu.memory_space<vmem>>, vector<1x16xf32>,
    %get3A_917 = vector.shape_cast %get3A_916 : vector<1x16xf32> to vector<16xf32>
    %sub3A_918 = arith.subf %get3A_912, %get3A_917 : vector<16xf32>
    %swap3A_919 = arith.constant 448 : index
    %swap3A_920 = tpu.vector_load %arg7[%swap3A_919] {strides = array<i32>} : memref<512xf32, #tpu.memory_space<vmem>>, vector<16xf32>,
    %swap3A_921 = vector.shape_cast %swap3A_920 : vector<16xf32> to vector<16xf32>
    %swap3A_922 = vector.shape_cast %sub3A_918 : vector<16xf32> to vector<16xf32>
    tpu.vector_store %arg7[%swap3A_919], %swap3A_922 {strides = array<i32>} : memref<512xf32, #tpu.memory_space<vmem>>, vector<16xf32>,
    %get3A_923 = arith.constant 1 : i32
    %get3A_924 = arith.index_cast %get3A_923 : i32 to index
    %get3A_925 = arith.constant 464 : index
    %get3A_926 = tpu.vector_load %arg5[%get3A_924, %get3A_925] {strides = array<i32>} : memref<2x512xf32, #tpu.memory_space<vmem>>, vector<1x16xf32>,
    %get3A_927 = vector.shape_cast %get3A_926 : vector<1x16xf32> to vector<16xf32>
    %get3A_928 = arith.constant 0 : i32
    %get3A_929 = arith.index_cast %get3A_928 : i32 to index
    %get3A_930 = arith.constant 464 : index
    %get3A_931 = tpu.vector_load %arg4[%get3A_929, %get3A_930] {strides = array<i32>} : memref<2x512xf32, #tpu.memory_space<vmem>>, vector<1x16xf32>,
    %get3A_932 = vector.shape_cast %get3A_931 : vector<1x16xf32> to vector<16xf32>
    %sub3A_933 = arith.subf %get3A_927, %get3A_932 : vector<16xf32>
    %swap3A_934 = arith.constant 464 : index
    %swap3A_935 = tpu.vector_load %arg6[%swap3A_934] {strides = array<i32>} : memref<512xf32, #tpu.memory_space<vmem>>, vector<16xf32>,
    %swap3A_936 = vector.shape_cast %swap3A_935 : vector<16xf32> to vector<16xf32>
    %swap3A_937 = vector.shape_cast %sub3A_933 : vector<16xf32> to vector<16xf32>
    tpu.vector_store %arg6[%swap3A_934], %swap3A_937 {strides = array<i32>} : memref<512xf32, #tpu.memory_space<vmem>>, vector<16xf32>,
    %get3A_938 = arith.constant 0 : i32
    %get3A_939 = arith.index_cast %get3A_938 : i32 to index
    %get3A_940 = arith.constant 464 : index
    %get3A_941 = tpu.vector_load %arg5[%get3A_939, %get3A_940] {strides = array<i32>} : memref<2x512xf32, #tpu.memory_space<vmem>>, vector<1x16xf32>,
    %get3A_942 = vector.shape_cast %get3A_941 : vector<1x16xf32> to vector<16xf32>
    %get3A_943 = arith.constant 1 : i32
    %get3A_944 = arith.index_cast %get3A_943 : i32 to index
    %get3A_945 = arith.constant 464 : index
    %get3A_946 = tpu.vector_load %arg4[%get3A_944, %get3A_945] {strides = array<i32>} : memref<2x512xf32, #tpu.memory_space<vmem>>, vector<1x16xf32>,
    %get3A_947 = vector.shape_cast %get3A_946 : vector<1x16xf32> to vector<16xf32>
    %sub3A_948 = arith.subf %get3A_942, %get3A_947 : vector<16xf32>
    %swap3A_949 = arith.constant 464 : index
    %swap3A_950 = tpu.vector_load %arg7[%swap3A_949] {strides = array<i32>} : memref<512xf32, #tpu.memory_space<vmem>>, vector<16xf32>,
    %swap3A_951 = vector.shape_cast %swap3A_950 : vector<16xf32> to vector<16xf32>
    %swap3A_952 = vector.shape_cast %sub3A_948 : vector<16xf32> to vector<16xf32>
    tpu.vector_store %arg7[%swap3A_949], %swap3A_952 {strides = array<i32>} : memref<512xf32, #tpu.memory_space<vmem>>, vector<16xf32>,
    %get3A_953 = arith.constant 1 : i32
    %get3A_954 = arith.index_cast %get3A_953 : i32 to index
    %get3A_955 = arith.constant 480 : index
    %get3A_956 = tpu.vector_load %arg5[%get3A_954, %get3A_955] {strides = array<i32>} : memref<2x512xf32, #tpu.memory_space<vmem>>, vector<1x16xf32>,
    %get3A_957 = vector.shape_cast %get3A_956 : vector<1x16xf32> to vector<16xf32>
    %get3A_958 = arith.constant 0 : i32
    %get3A_959 = arith.index_cast %get3A_958 : i32 to index
    %get3A_960 = arith.constant 480 : index
    %get3A_961 = tpu.vector_load %arg4[%get3A_959, %get3A_960] {strides = array<i32>} : memref<2x512xf32, #tpu.memory_space<vmem>>, vector<1x16xf32>,
    %get3A_962 = vector.shape_cast %get3A_961 : vector<1x16xf32> to vector<16xf32>
    %sub3A_963 = arith.subf %get3A_957, %get3A_962 : vector<16xf32>
    %swap3A_964 = arith.constant 480 : index
    %swap3A_965 = tpu.vector_load %arg6[%swap3A_964] {strides = array<i32>} : memref<512xf32, #tpu.memory_space<vmem>>, vector<16xf32>,
    %swap3A_966 = vector.shape_cast %swap3A_965 : vector<16xf32> to vector<16xf32>
    %swap3A_967 = vector.shape_cast %sub3A_963 : vector<16xf32> to vector<16xf32>
    tpu.vector_store %arg6[%swap3A_964], %swap3A_967 {strides = array<i32>} : memref<512xf32, #tpu.memory_space<vmem>>, vector<16xf32>,
    %get3A_968 = arith.constant 0 : i32
    %get3A_969 = arith.index_cast %get3A_968 : i32 to index
    %get3A_970 = arith.constant 480 : index
    %get3A_971 = tpu.vector_load %arg5[%get3A_969, %get3A_970] {strides = array<i32>} : memref<2x512xf32, #tpu.memory_space<vmem>>, vector<1x16xf32>,
    %get3A_972 = vector.shape_cast %get3A_971 : vector<1x16xf32> to vector<16xf32>
    %get3A_973 = arith.constant 1 : i32
    %get3A_974 = arith.index_cast %get3A_973 : i32 to index
    %get3A_975 = arith.constant 480 : index
    %get3A_976 = tpu.vector_load %arg4[%get3A_974, %get3A_975] {strides = array<i32>} : memref<2x512xf32, #tpu.memory_space<vmem>>, vector<1x16xf32>,
    %get3A_977 = vector.shape_cast %get3A_976 : vector<1x16xf32> to vector<16xf32>
    %sub3A_978 = arith.subf %get3A_972, %get3A_977 : vector<16xf32>
    %swap3A_979 = arith.constant 480 : index
    %swap3A_980 = tpu.vector_load %arg7[%swap3A_979] {strides = array<i32>} : memref<512xf32, #tpu.memory_space<vmem>>, vector<16xf32>,
    %swap3A_981 = vector.shape_cast %swap3A_980 : vector<16xf32> to vector<16xf32>
    %swap3A_982 = vector.shape_cast %sub3A_978 : vector<16xf32> to vector<16xf32>
    tpu.vector_store %arg7[%swap3A_979], %swap3A_982 {strides = array<i32>} : memref<512xf32, #tpu.memory_space<vmem>>, vector<16xf32>,
    %get3A_983 = arith.constant 1 : i32
    %get3A_984 = arith.index_cast %get3A_983 : i32 to index
    %get3A_985 = arith.constant 496 : index
    %get3A_986 = tpu.vector_load %arg5[%get3A_984, %get3A_985] {strides = array<i32>} : memref<2x512xf32, #tpu.memory_space<vmem>>, vector<1x16xf32>,
    %get3A_987 = vector.shape_cast %get3A_986 : vector<1x16xf32> to vector<16xf32>
    %get3A_988 = arith.constant 0 : i32
    %get3A_989 = arith.index_cast %get3A_988 : i32 to index
    %get3A_990 = arith.constant 496 : index
    %get3A_991 = tpu.vector_load %arg4[%get3A_989, %get3A_990] {strides = array<i32>} : memref<2x512xf32, #tpu.memory_space<vmem>>, vector<1x16xf32>,
    %get3A_992 = vector.shape_cast %get3A_991 : vector<1x16xf32> to vector<16xf32>
    %sub3A_993 = arith.subf %get3A_987, %get3A_992 : vector<16xf32>
    %swap3A_994 = arith.constant 496 : index
    %swap3A_995 = tpu.vector_load %arg6[%swap3A_994] {strides = array<i32>} : memref<512xf32, #tpu.memory_space<vmem>>, vector<16xf32>,
    %swap3A_996 = vector.shape_cast %swap3A_995 : vector<16xf32> to vector<16xf32>
    %swap3A_997 = vector.shape_cast %sub3A_993 : vector<16xf32> to vector<16xf32>
    tpu.vector_store %arg6[%swap3A_994], %swap3A_997 {strides = array<i32>} : memref<512xf32, #tpu.memory_space<vmem>>, vector<16xf32>,
    %get3A_998 = arith.constant 0 : i32
    %get3A_999 = arith.index_cast %get3A_998 : i32 to index
    %get3A_1000 = arith.constant 496 : index
    %get3A_1001 = tpu.vector_load %arg5[%get3A_999, %get3A_1000] {strides = array<i32>} : memref<2x512xf32, #tpu.memory_space<vmem>>, vector<1x16xf32>,
    %get3A_1002 = vector.shape_cast %get3A_1001 : vector<1x16xf32> to vector<16xf32>
    %get3A_1003 = arith.constant 1 : i32
    %get3A_1004 = arith.index_cast %get3A_1003 : i32 to index
    %get3A_1005 = arith.constant 496 : index
    %get3A_1006 = tpu.vector_load %arg4[%get3A_1004, %get3A_1005] {strides = array<i32>} : memref<2x512xf32, #tpu.memory_space<vmem>>, vector<1x16xf32>,
    %get3A_1007 = vector.shape_cast %get3A_1006 : vector<1x16xf32> to vector<16xf32>
    %sub3A_1008 = arith.subf %get3A_1002, %get3A_1007 : vector<16xf32>
    %swap3A_1009 = arith.constant 496 : index
    %swap3A_1010 = tpu.vector_load %arg7[%swap3A_1009] {strides = array<i32>} : memref<512xf32, #tpu.memory_space<vmem>>, vector<16xf32>,
    %swap3A_1011 = vector.shape_cast %swap3A_1010 : vector<16xf32> to vector<16xf32>
    %swap3A_1012 = vector.shape_cast %sub3A_1008 : vector<16xf32> to vector<16xf32>
    tpu.vector_store %arg7[%swap3A_1009], %swap3A_1012 {strides = array<i32>} : memref<512xf32, #tpu.memory_space<vmem>>, vector<16xf32>,
    %run_scoped3A = arith.constant 0 : i32
    "tpu.region"() ({
      %run_scoped3A_1014 = tpu.sem_alloc : memref<!tpu.dma_semaphore, #tpu.memory_space<semaphore_mem>>
      %dma_start3A_1015 = tpu.memref_slice %arg3[%run_scoped3A, %select_n3A, %mul3A_32] : memref<2x16x1024xf32, #tpu.memory_space<hbm>> -> memref<1x1x512xf32, #tpu.memory_space<hbm>>
      %dma_start3A_1016 = tpu.memref_squeeze %dma_start3A_1015 : memref<1x1x512xf32, #tpu.memory_space<hbm>> -> memref<512xf32, #tpu.memory_space<hbm>>
      %dma_start3A_1017 = tpu.memref_slice %arg3[%run_scoped3A, %select_n3A, %mul3A_32] : memref<2x16x1024xf32, #tpu.memory_space<hbm>> -> memref<1x1x512xf32, #tpu.memory_space<hbm>>
      %dma_start3A_1018 = tpu.memref_squeeze %dma_start3A_1017 : memref<1x1x512xf32, #tpu.memory_space<hbm>> -> memref<512xf32, #tpu.memory_space<hbm>>
      tpu.enqueue_dma source(%arg6 : memref<512xf32, #tpu.memory_space<vmem>>) target(%dma_start3A_1018 : memref<512xf32, #tpu.memory_space<hbm>>) target_semaphore(%run_scoped3A_1014 : memref<!tpu.dma_semaphore, #tpu.memory_space<semaphore_mem>>)
      %dma_wait3A_1019 = tpu.memref_slice %arg3[%run_scoped3A, %select_n3A, %mul3A_32] : memref<2x16x1024xf32, #tpu.memory_space<hbm>> -> memref<1x1x512xf32, #tpu.memory_space<hbm>>
      %dma_wait3A_1020 = tpu.memref_squeeze %dma_wait3A_1019 : memref<1x1x512xf32, #tpu.memory_space<hbm>> -> memref<512xf32, #tpu.memory_space<hbm>>
      %dma_wait3A_1021 = tpu.memref_slice %arg3[%run_scoped3A, %select_n3A, %mul3A_32] : memref<2x16x1024xf32, #tpu.memory_space<hbm>> -> memref<1x1x512xf32, #tpu.memory_space<hbm>>
      %dma_wait3A_1022 = tpu.memref_squeeze %dma_wait3A_1021 : memref<1x1x512xf32, #tpu.memory_space<hbm>> -> memref<512xf32, #tpu.memory_space<hbm>>
      tpu.wait_dma2 semaphore(%run_scoped3A_1014 : memref<!tpu.dma_semaphore, #tpu.memory_space<semaphore_mem>>) src(%arg6 : memref<512xf32, #tpu.memory_space<vmem>>) dst(%dma_wait3A_1022 : memref<512xf32, #tpu.memory_space<hbm>>)
      tpu.yield
    }) : () -> ()
    %run_scoped3A_1013 = arith.constant 1 : i32
    "tpu.region"() ({
      %run_scoped3A_1014 = tpu.sem_alloc : memref<!tpu.dma_semaphore, #tpu.memory_space<semaphore_mem>>
      %dma_start3A_1015 = tpu.memref_slice %arg3[%run_scoped3A_1013, %select_n3A, %mul3A_32] : memref<2x16x1024xf32, #tpu.memory_space<hbm>> -> memref<1x1x512xf32, #tpu.memory_space<hbm>>
      %dma_start3A_1016 = tpu.memref_squeeze %dma_start3A_1015 : memref<1x1x512xf32, #tpu.memory_space<hbm>> -> memref<512xf32, #tpu.memory_space<hbm>>
      %dma_start3A_1017 = tpu.memref_slice %arg3[%run_scoped3A_1013, %select_n3A, %mul3A_32] : memref<2x16x1024xf32, #tpu.memory_space<hbm>> -> memref<1x1x512xf32, #tpu.memory_space<hbm>>
      %dma_start3A_1018 = tpu.memref_squeeze %dma_start3A_1017 : memref<1x1x512xf32, #tpu.memory_space<hbm>> -> memref<512xf32, #tpu.memory_space<hbm>>
      tpu.enqueue_dma source(%arg7 : memref<512xf32, #tpu.memory_space<vmem>>) target(%dma_start3A_1018 : memref<512xf32, #tpu.memory_space<hbm>>) target_semaphore(%run_scoped3A_1014 : memref<!tpu.dma_semaphore, #tpu.memory_space<semaphore_mem>>)
      %dma_wait3A_1019 = tpu.memref_slice %arg3[%run_scoped3A_1013, %select_n3A, %mul3A_32] : memref<2x16x1024xf32, #tpu.memory_space<hbm>> -> memref<1x1x512xf32, #tpu.memory_space<hbm>>
      %dma_wait3A_1020 = tpu.memref_squeeze %dma_wait3A_1019 : memref<1x1x512xf32, #tpu.memory_space<hbm>> -> memref<512xf32, #tpu.memory_space<hbm>>
      %dma_wait3A_1021 = tpu.memref_slice %arg3[%run_scoped3A_1013, %select_n3A, %mul3A_32] : memref<2x16x1024xf32, #tpu.memory_space<hbm>> -> memref<1x1x512xf32, #tpu.memory_space<hbm>>
      %dma_wait3A_1022 = tpu.memref_squeeze %dma_wait3A_1021 : memref<1x1x512xf32, #tpu.memory_space<hbm>> -> memref<512xf32, #tpu.memory_space<hbm>>
      tpu.wait_dma2 semaphore(%run_scoped3A_1014 : memref<!tpu.dma_semaphore, #tpu.memory_space<semaphore_mem>>) src(%arg7 : memref<512xf32, #tpu.memory_space<vmem>>) dst(%dma_wait3A_1022 : memref<512xf32, #tpu.memory_space<hbm>>)
      tpu.yield
    }) : () -> ()
    return
  }
}

module attributes {stable_mosaic.version = 14 : i64} {
  func.func @_proj_body(%arg0: memref<2x16x1024xf32, #tpu.memory_space<vmem>>, %arg1: memref<1x2xf32, #tpu.memory_space<vmem>>, %arg2: memref<1024x1024xf32, #tpu.memory_space<vmem>>, %arg3: memref<1024xf32, #tpu.memory_space<vmem>>, %arg4: memref<16x1024xf32, #tpu.memory_space<vmem>>) attributes {dimension_semantics = [], scalar_prefetch = 0 : i64, scratch_operands = 0 : i64, tpu.core_type = #tpu.core_type<tc>} {
    %get3A = arith.constant 0 : index
    %get3A_0 = arith.constant 0 : index
    %get3A_1 = vector.load %arg1[%get3A, %get3A_0] : memref<1x2xf32, #tpu.memory_space<vmem>>, vector<1x2xf32>
    %exp3A = math.exp %get3A_1 : vector<1x2xf32>
    %slice3A = vector.extract_strided_slice %exp3A {offsets = [0, 1], sizes = [1, 1], strides = [1, 1]} : vector<1x2xf32> to vector<1x1xf32>
    %slice3A_2 = vector.extract_strided_slice %exp3A {offsets = [0, 0], sizes = [1, 1], strides = [1, 1]} : vector<1x2xf32> to vector<1x1xf32>
    %slice3A_3 = vector.extract_strided_slice %exp3A {offsets = [0, 1], sizes = [1, 1], strides = [1, 1]} : vector<1x2xf32> to vector<1x1xf32>
    %add3A = arith.addf %slice3A_2, %slice3A_3 : vector<1x1xf32>
    %div3A = arith.divf %slice3A, %add3A : vector<1x1xf32>
    %get3A_4 = arith.constant 0 : index
    %get3A_5 = arith.constant 0 : index
    %get3A_6 = arith.constant 0 : index
    %get3A_7 = vector.load %arg0[%get3A_4, %get3A_5, %get3A_6] : memref<2x16x1024xf32, #tpu.memory_space<vmem>>, vector<1x16x1024xf32>
    %get3A_8 = vector.shape_cast %get3A_7 : vector<1x16x1024xf32> to vector<16x1024xf32>
    %mul3A = arith.constant 4.88758553E-4 : f32
    %mul3A_9 = vector.broadcast %mul3A : f32 to vector<16x1024xf32>
    %mul3A_10 = arith.mulf %mul3A_9, %get3A_8 : vector<16x1024xf32>
    %mul3A_11 = arith.constant 4.88758553E-4 : f32
    %mul3A_12 = vector.broadcast %mul3A_11 : f32 to vector<1x1xf32>
    %mul3A_13 = arith.mulf %mul3A_12, %div3A : vector<1x1xf32>
    %get3A_14 = arith.constant 1 : index
    %get3A_15 = arith.constant 0 : index
    %get3A_16 = arith.constant 0 : index
    %get3A_17 = vector.load %arg0[%get3A_14, %get3A_15, %get3A_16] : memref<2x16x1024xf32, #tpu.memory_space<vmem>>, vector<1x16x1024xf32>
    %get3A_18 = vector.shape_cast %get3A_17 : vector<1x16x1024xf32> to vector<16x1024xf32>
    %mul3A_19 = vector.broadcast %mul3A_13 : vector<1x1xf32> to vector<16x1024xf32>
    %mul3A_20 = arith.mulf %mul3A_19, %get3A_18 : vector<16x1024xf32>
    %add3A_21 = arith.addf %mul3A_10, %mul3A_20 : vector<16x1024xf32>
    %get3A_22 = arith.constant 0 : index
    %get3A_23 = arith.constant 0 : index
    %get3A_24 = vector.load %arg2[%get3A_22, %get3A_23] : memref<1024x1024xf32, #tpu.memory_space<vmem>>, vector<1024x1024xf32>
    %dot_general3A = arith.constant dense<0.000000e+00> : vector<16x1024xf32>
    %dot_general3A_25 = tpu.matmul %add3A_21, %get3A_24, %dot_general3A {dimension_numbers = #tpu.dot_dimension_numbers<[1], [1], [0], [0], [0, 0, 1, 0], [], []>, transpose_lhs_hint = false} : vector<16x1024xf32>, vector<1024x1024xf32>, vector<16x1024xf32> -> vector<16x1024xf32>
    %get3A_26 = arith.constant 0 : index
    %get3A_27 = vector.load %arg3[%get3A_26] : memref<1024xf32, #tpu.memory_space<vmem>>, vector<1024xf32>
    %broadcast_in_dim3A = vector.shape_cast %get3A_27 : vector<1024xf32> to vector<1x1024xf32>
    %add3A_28 = vector.broadcast %broadcast_in_dim3A : vector<1x1024xf32> to vector<16x1024xf32>
    %add3A_29 = arith.addf %dot_general3A_25, %add3A_28 : vector<16x1024xf32>
    %swap3A = arith.constant 0 : index
    %swap3A_30 = arith.constant 0 : index
    %swap3A_31 = vector.load %arg4[%swap3A, %swap3A_30] : memref<16x1024xf32, #tpu.memory_space<vmem>>, vector<16x1024xf32>
    tpu.vector_store %arg4[%swap3A, %swap3A_30], %add3A_29 {strides = array<i32>} : memref<16x1024xf32, #tpu.memory_space<vmem>>, vector<16x1024xf32>,
    return
  }
}

</mosaic_0001>

<sc_bundles>
// kernel: kernel.4.cloned.1.call-start
scs
__scs_entry_jumppad:
0x0: {  	(pc) =	sbr.rel $0x88, $3  }
0x1: {  	(tag) =	ssettag $0x0;
	lr =	simm.s32 $0x1  }
0x2: {  	[smem:$0x3F9D] =	sst lr;
	_ =	strace $0xD0000000  }
0x3: {  	_ = 	snop  }
0x4: {  	_ = 	snop  }
0x5: {  	_ = 	snop  }
0x6: {  	_ = 	snop  }
0x7: {  	_ = 	snop  }
__scs_overlays_trampoline_lowered:
0x8: {  	[smem:$0x3FAC] =	sst s0  }
0x9: {  	[smem:$0x3FAD] =	sst s1  }
0xa: {  	[smem:$0x3FAE] =	sst s2  }
0xb: {  	[smem:$0x3FAF] =	sst s3  }
0xc: {  	[smem:$0x3FB0] =	sst s4  }
0xd: {  	[smem:$0x3FB1] =	sst s5  }
0xe: {  	[smem:$0x3FB2] =	sst s6  }
0xf: {  	[smem:$0x3FB3] =	sst s7  }
0x10: {  	[smem:$0x3FB4] =	sst s8  }
0x11: {  	[smem:$0x3FB5] =	sst s9;
	s0 =	simm.s32 @!p0 $0x0  }
0x12: {  	s1 =	sld [smem:$0x3F9B];
	s0 =	simm.s32 @p0 $0x1  }
0x13: {  	[smem:$0x3FB6] =	sst s0;
	s0 =	simm.s32 @!p1 $0x0  }
0x14: {  	s2 =	sld [smem:$0x3F9A];
	s0 =	simm.s32 @p1 $0x1  }
0x15: {  	[smem:$0x3FB7] =	sst s0;
	s0 =	simm.s32 @!p2 $0x0  }
0x16: {  	s3 =	sld [smem:$0x3FDB];
	s0 =	simm.s32 @p2 $0x1  }
0x17: {  	s4 =	simm.s32 $0x1BF5;
	[smem:$0x3FB9] =	sst s0  }
0x18: {  	s0 =	sld [smem:$0x3F9C];
	_ =	swait.ge [sflag:s4], $0x0  }
0x19: {  	s7 =	sld [smem:$0x3F9D]  }
0x1a: {  	s8 =	sadd.s32 $0xFFFFE003, lr  }
0x1b: {  	s9 =	sadd.s32 $0xFFFFFEF7, lr;
	s5 =	simm.s32 $0xFFFFFFFF;
	p2 =	slt.u32 s8, $0xFFFFF086  }
0x1c: {  	p1 =	slt.u32 s9, $0xF7A;
	s5 =	simm.s32 @!p2 $0x0  }
0x1d: {  	s5 =	simm.s32 @p1 $0x1;
	p0 =	seq.s32 s7, s2  }
0x1e: {  	s7 =	smul.u32 @!p0 $0xF7A, s2;
	p2 =	seq.s32 @!p0 s5, $0x0  }
0x1f: {  	s9 =	smul.u32 $0xF7A, s1;
	s8 =	simm.s32 @!p0 $0x1BF5;
	p2 =	por !p2, p0  }
0x20: {  	[sflag:s8] =	ssyncset.s32 @!p0 $0xFFFFF086;
	s6 =	sadd.s32 @!p0 s3, s7;
	s7 =	simm.s32 @!p0 $0x108  }
0x21: {  	s3 =	sadd.s32 s3, s9;
	s6 =	sadd.s32 @!p0 $0x88, s6;
	s7 =	simm.s32 @p2 $0x1082  }
0x22: {  	[simem:s7], [sflag:s8] =	dma.local @!p0 [hbm:s6], $0xF7A  }
0x23: {  	s9 =	sor.u32 $0xD0000000, s2;
	s6 =	simm.s32 $0x108;
	_ =	swait.ge @!p0 [sflag:s8], $0x0  }
0x24: {  	s3 =	sadd.s32 $0x88, s3;
	s6 =	simm.s32 @!p1 $0x1082;
	[sflag:s4] =	ssyncset.s32 $0xFFFFF086  }
0x25: {  	[simem:s6], [sflag:s4] =	dma.local [hbm:s3], $0xF7A  }
0x26: {  	[smem:$0x3F9D] =	sst s1;
	(tag) =	ssettag s2;
	_ =	strace s9  }
0x27: {  	s1 =	sld [smem:$0x3FAD]  }
0x28: {  	s2 =	sld [smem:$0x3FAE]  }
0x29: {  	s4 =	sld [smem:$0x3FB0]  }
0x2a: {  	p0 =	seq.s32 s5, $0x0;
	s5 =	sld [smem:$0x3FB1]  }
0x2b: {  	s6 =	sld [smem:$0x3FB2]  }
0x2c: {  	s7 =	sld [smem:$0x3FB3]  }
0x2d: {  	s3 =	simm.s32 $0x108;
	s8 =	sld [smem:$0x3FB4]  }
0x2e: {  	s3 =	simm.s32 @!p0 $0x1082;
	s9 =	sld [smem:$0x3FB5]  }
0x2f: {  	lr =	sadd.s32 s0, s3;
	s0 =	sld [smem:$0x3FAC]  }
0x30: {  	s3 =	sld [smem:$0x3FAF]  }
0x31: {  	[smem:$0x3FB8] =	sst s10  }
0x32: {  	s10 =	sld [smem:$0x3FB6];
	_ =	sdelay $0x3  }
0x33: {  	p0 =	seq.s32 s10, $0x1;
	s10 =	sld [smem:$0x3FB8];
	_ =	sdelay $0x3  }
0x34: {  	[smem:$0x3FB8] =	sst s10  }
0x35: {  	s10 =	sld [smem:$0x3FB7];
	_ =	sdelay $0x3  }
0x36: {  	p1 =	seq.s32 s10, $0x1;
	s10 =	sld [smem:$0x3FB8];
	_ =	sdelay $0x3  }
0x37: {  	[smem:$0x3FB8] =	sst s10  }
0x38: {  	s10 =	sld [smem:$0x3FB9]  }
0x39: {  	_ = 	snop;
	(pc) =	sbr.ind lr, $3  }
0x3a: {  	_ = 	snop  }
0x3b: {  	_ = 	snop  }
0x3c: {  	p2 =	seq.s32 s10, $0x1;
	s10 =	sld [smem:$0x3FB8]  }
0x3d: {  	_ =	shalt  }
0x3e: {  	_ =	shalt  }
0x3f: {  	_ =	shalt  }
0x40: {  	_ =	shalt  }
0x41: {  	_ =	shalt  }
0x42: {  	_ =	shalt  }
0x43: {  	_ =	shalt  }
0x44: {  	_ =	shalt  }
0x45: {  	_ =	shalt  }
0x46: {  	_ =	shalt  }
0x47: {  	_ =	shalt  }
0x48: {  	_ =	shalt  }
0x49: {  	_ =	shalt  }
0x4a: {  	_ =	shalt  }
0x4b: {  	_ =	shalt  }
0x4c: {  	_ =	shalt  }
0x4d: {  	_ =	shalt  }
0x4e: {  	_ =	shalt  }
0x4f: {  	_ =	shalt  }
0x50: {  	_ =	shalt  }
0x51: {  	_ =	shalt  }
0x52: {  	_ =	shalt  }
0x53: {  	_ =	shalt  }
0x54: {  	_ =	shalt  }
0x55: {  	_ =	shalt  }
0x56: {  	_ =	shalt  }
0x57: {  	_ =	shalt  }
0x58: {  	_ =	shalt  }
0x59: {  	_ =	shalt  }
0x5a: {  	_ =	shalt  }
0x5b: {  	_ =	shalt  }
0x5c: {  	_ =	shalt  }
0x5d: {  	_ =	shalt  }
0x5e: {  	_ =	shalt  }
0x5f: {  	_ =	shalt  }
0x60: {  	_ =	shalt  }
0x61: {  	_ =	shalt  }
0x62: {  	_ =	shalt  }
0x63: {  	_ =	shalt  }
0x64: {  	_ =	shalt  }
0x65: {  	_ =	shalt  }
0x66: {  	_ =	shalt  }
0x67: {  	_ =	shalt  }
0x68: {  	_ =	shalt  }
0x69: {  	_ =	shalt  }
0x6a: {  	_ =	shalt  }
0x6b: {  	_ =	shalt  }
0x6c: {  	_ =	shalt  }
0x6d: {  	_ =	shalt  }
0x6e: {  	_ =	shalt  }
0x6f: {  	_ =	shalt  }
0x70: {  	_ =	shalt  }
0x71: {  	_ =	shalt  }
0x72: {  	_ =	shalt  }
0x73: {  	_ =	shalt  }
0x74: {  	_ =	shalt  }
0x75: {  	_ =	shalt  }
0x76: {  	_ =	shalt  }
0x77: {  	_ =	shalt  }
0x78: {  	_ =	shalt  }
0x79: {  	_ =	shalt  }
0x7a: {  	_ =	shalt  }
0x7b: {  	_ =	shalt  }
0x7c: {  	_ =	shalt  }
0x7d: {  	_ =	shalt  }
0x7e: {  	_ =	shalt  }
0x7f: {  	_ =	shalt  }
0x80: {  	_ =	shalt  }
0x81: {  	_ =	shalt  }
0x82: {  	_ =	shalt  }
0x83: {  	_ =	shalt  }
0x84: {  	_ =	shalt  }
0x85: {  	_ =	shalt  }
0x86: {  	_ =	shalt  }
0x87: {  	_ =	shalt  }
.Lfunc_end0:
.L_simem_size_0:
called_computation_lowered:
.L_overlay_start_0:
0x88: {  	s2 =	sld [smem:$0x3FD9]  }
0x89: {  	s3 =	sld [smem:$0x3FFE];
	_ =	sdelay $0x1  }
0x8a: {  	s1 =	srdreg.scid  }
0x8b: {  	s0 =	sand.u32 $0x1, s1  }
0x8c: {  	s17 =	sshll.u32 s0, $0xA;
	s2 =	sadd.s32 s3, s2  }
0x8d: {  	s2 =	sadd.s32 s2, s17  }
0x8e: {  	[smem:$0x3FC4] =	sst s2  }
0x8f: {  	_ = 	snop  }
0x90: {  	s2 =	sld [smem:$0x3FC9];
	(tm) =	ssettm $0x1  }
0x91: {  	s18 =	sld [smem:$0x3FFB];
	_ =	sdelay $0x3  }
0x92: {  	_ =	strace s18  }
0x93: {  	s3 =	sld [smem:$0x3FFC];
	_ =	sdelay $0x3  }
0x94: {  	_ =	strace s3  }
0x95: {  	s3 =	sld [smem:$0x3FFD];
	_ =	sdelay $0x3  }
0x96: {  	_ =	strace s3  }
0x97: {  	_ =	strace $0x8FFFFFFF  }
0x98: {  	s19 =	sld [smem:$0x3FDB];
	_ =	sdelay $0x1  }
0x99: {  	s4 =	simm.s32 $_scs_section_size  }
0x9a: {  	s5 =	simm.s32 $_size__tile_overlayer_lowered;
	s6 =	simm.s32 $_tile_overlayer_lowered  }
0x9b: {  	s22 =	simm.s32 $0x1BFF;
	s21 =	sshll.u32 s6, $0x1;
	s3 =	sadd.s32 s4, s19  }
0x9c: {  	s7 =	simm.s32 $0x0;
	s20 =	sshll.u32 s5, $0x1;
	s5 =	sadd.s32 s21, s3  }
0x9d: {  	[timem:s7], [sflag:s22] =	dma.local [hbm:s5], s20  }
0x9e: {  	_ =	swait.ge [sflag:s22], s20  }
0x9f: {  	s4 =	ssub.s32 $0x0, s20;
	[sflag:s22] =	ssyncset.done $0x0  }
0xa0: {  	[sflag:s22] =	ssyncadd.s32 s4;
	_ =	sdelay $0x1  }
0xa1: {  	s23 =	simm.s32 $0x1B8B  }
0xa2: {  	_ =	swait.ge [sflag:s23], $0x1  }
0xa3: {  	[sflag:s23] =	ssyncset.done $0x0  }
0xa4: {  	s25 =	simm.s32 $0x1B8E;
	s24 =	sld [smem:$0x3FFE];
	[sflag:s23] =	ssyncadd.s32 $0xFFFFFFFF  }
0xa5: {  	s26 =	simm.s32 $execute0_lowered;
	[smem:$0x3FD2] =	sst s25  }
0xa6: {  	s5 =	sshll.u32 s26, $0x1;
	_ =	strace $0x80000046;
	[dreg:$0x1] =	wrdreg $0xFFFFFFFF  }
0xa7: {  	s28 =	simm.s32 $_size_execute0_lowered;
	s3 =	sadd.s32 s3, s5;
	[dreg:$0x0] =	wrdreg $0x0  }
0xa8: {  	s5 =	sshll.u32 s28, $0x1;
	[dreg:$0x2] =	wrdreg s3  }
0xa9: {  	[dreg:$0x3] =	wrdreg s5  }
0xaa: {  	[dreg:$0x4] =	wrdreg $0xC0  }
0xab: {  	_ =	task [dreg:s7], $0x5FFFF  }
0xac: {  	[dreg:$0x1] =	wrdreg $0xFFFFFFFF  }
0xad: {  	[dreg:$0x0] =	wrdreg $0x60  }
0xae: {  	[dreg:$0x2] =	wrdreg s2  }
0xaf: {  	[dreg:$0x3] =	wrdreg s24  }
0xb0: {  	[dreg:$0x4] =	wrdreg $0x9  }
0xb1: {  	_ =	task.clear_ibuf [dreg:s7], $0x5FFFF;
	_ =	strace $0x90000046  }
0xb2: {  	s29 =	simm.s32 $0x9;
	_ =	strace $0x80000048  }
0xb3: {  	_ =	swait.ge [sflag:s29], $0x1  }
0xb4: {  	[sflag:s29] =	ssyncadd.s32 $0xFFFFFFFF  }
0xb5: {  	_ =	strace $0x90000048  }
0xb6: {  	_ =	sfence  }
0xb7: {  	s30 =	sld [smem:$0x0];
	_ =	sdelay $0x2  }
0xb8: {  	s31 =	sshll.u32 s1, $0xD;
	s1 =	sshrl.u32 s1, $0x2  }
0xb9: {  	s3 =	sand.u32 $0x4000, s31;
	s1 =	sadd.s32 s1, s30  }
0xba: {  	s0 =	sor.u32 s3, s0;
	s1 =	sshll.u32 s1, $0x11  }
0xbb: {  	s0 =	sor.u32 s1, s0  }
0xbc: {  	s0 =	sadd.s32 $0x8F2B, s0  }
0xbd: {  	[sflag:s0] =	ssyncadd.remote.s32 $0x1  }
0xbe: {  	_ =	sfence.sel $0xFFFF  }
0xbf: {  	[dreg:$0x0] =	wrdreg $0xFFFFFFFF;
	(pc) =	sbr.abs _section_cstart, $3  }
0xc0: {  	[dreg:$0x1] =	wrdreg $0xFFFFFFFF  }
0xc1: {  	_ =	task.clear_ibuf [dreg:s7], $0x2FFFF;
	_ =	strace $0x9FFFFFFF  }
0xc2: {  	(tm) =	ssettm $0x7FFFFFFF  }
0xc3: {  	_ =	shalt  }
tec
execute0_lowered:
.L_overlay_start_1:
0x0: {  	(tag) =	ssettag $0x1  }
0x1: {  	s4 =	rddreg [dreg:$0x0];
	s0 =	srdreg.scid  }
0x2: {  	s3 =	rddreg [dreg:$0x1];
	s1 =	stileid.u32;
	s2 =	simm.s32 $0x0  }
0x3: {  	s8 =	simm.s32 $0x1;
	s12 =	simm.s32 $0x80;
	s5 =	sand.u32 $0x1, s0  }
0x4: {  	s13 =	simm.s32 $0x800;
	s14 =	simm.s32 $0x3;
	s6 =	sor.u32 s5, s1  }
0x5: {  	s0 =	rddreg [dreg:$0x2];
	p1 =	seq.s32 s5, $0x1;
	p0 =	seq.s32 s6, $0x0  }
0x6: {  	s15 =	simm.s32 $0xA00;
	[smem:$0x7FF] =	sst s2;
	p0 =	por !p0, !p1  }
0x7: {  	s9 =	sadd.s32 $0xC00, s3;
	s3 =	simm.s32 $0x1;
	p0 =	por !p0, !p0  }
0x8: {  	_ =	strace $0x80000047;
	s25 =	ssub.s32 $0x2, s5;
	s8 =	simm.s32 @!p0 $0x0  }
0x9: {  	s5 =	sshll.u32 s5, $0xC;
	s7 =	sshrl.u32 s25, $0x1;
	s26 =	ssub.s32 s1, s8  }
0xa: {  	s10 =	ssub.s32 s25, s7;
	s28 =	sshll.u32 s26, $0x15;
	s6 =	sshll.u32 s26, $0x7  }
0xb: {  	s8 =	sshll.u32 s26, $0xA;
	s7 =	sor.u32 s5, s28;
	s6 =	sand.u32 $0x380, s6  }
0xc: {  	s8 =	sand.u32 $0xFFFFE000, s8;
	s7 =	sshrl.u32 s7, $0x3;
	s11 =	sor.u32 s5, s6  }
0xd: {  	s5 =	sor.u32 s5, s8;
	s7 =	sadd.s32 s7, s4;
	s8 =	sor.u32 s8, s11  }
0xe: {  	s5 =	sor.u32 s6, s5;
	s11 =	simm.s32 $0x2;
	s4 =	sadd.s32 $0x10, s7  }
0xf: {  	s29 =	sshrl.u32 s8, $0x3;
	s30 =	sadd.s32 $0x4000, s5;
	s5 =	sadd.s32 $0x3FC60, s7  }
0x10: {  	s8 =	smax.u32 s10, $0x1;
	s10 =	simm.s32 $0x400;
	s31 =	sshrl.u32 s30, $0x3  }
0x11: {  	s6 =	sadd.s32 s9, s29;
	s7 =	sadd.s32 s9, s31;
	s9 =	simm.s32 $0x100  }
.LBB2_1:
0x12: {  	[tilespmem:s2], [sflag:$0x1] =	stream.strided.gather [hbm4b:s4+s9], $0x400, s10, s9, $0x38;
	[tilespmem:$0xC00] =	vst v63  }
0x13: {  	_ = 	snop  }
0x14: {  	[tilespmem:s10], [sflag:$0x2] =	stream.strided.gather [hbm4b:s5+s9], $0x400, s10, s9, $0x38;
	[tilespmem:$0xC00] =	vst v63  }
0x15: {  	_ =	swait.ge [sflag:s3], $0x400  }
0x16: {  	[sflag:s3] =	ssyncset.done $0x0  }
0x17: {  	[sflag:s3] =	ssyncadd.s32 $0xFFFFFC00  }
0x18: {  	_ =	swait.ge [sflag:s11], $0x400  }
0x19: {  	[sflag:s11] =	ssyncset.done $0x0  }
0x1a: {  	[sflag:s11] =	ssyncadd.s32 $0xFFFFFC00  }
0x1b: {  	v0 =	vld [tilespmem:$0x480]  }
0x1c: {  	v1 =	vld [tilespmem:$0x0]  }
0x1d: {  	v2 =	vld [tilespmem:$0x400]  }
0x1e: {  	v3 =	vld [tilespmem:$0x80]  }
0x1f: {  	v4 =	vld [tilespmem:$0x490]  }
0x20: {  	v5 =	vld [tilespmem:$0x10]  }
0x21: {  	v6 =	vld [tilespmem:$0x410]  }
0x22: {  	v7 =	vld [tilespmem:$0x90]  }
0x23: {  	v8 =	vld [tilespmem:$0x4A0]  }
0x24: {  	v9 =	vld [tilespmem:$0x20]  }
0x25: {  	v10 =	vld [tilespmem:$0x420]  }
0x26: {  	v11 =	vld [tilespmem:$0xA0]  }
0x27: {  	v12 =	vld [tilespmem:$0x4B0]  }
0x28: {  	v13 =	vld [tilespmem:$0x30]  }
0x29: {  	v14 =	vld [tilespmem:$0x430]  }
0x2a: {  	v15 =	vld [tilespmem:$0xB0]  }
0x2b: {  	v16 =	vld [tilespmem:$0x4C0]  }
0x2c: {  	v17 =	vld [tilespmem:$0x40]  }
0x2d: {  	v18 =	vld [tilespmem:$0x440]  }
0x2e: {  	v19 =	vld [tilespmem:$0xC0]  }
0x2f: {  	v20 =	vld [tilespmem:$0x4D0]  }
0x30: {  	v21 =	vld [tilespmem:$0x50]  }
0x31: {  	v22 =	vld [tilespmem:$0x450]  }
0x32: {  	v23 =	vld [tilespmem:$0xD0]  }
0x33: {  	v24 =	vld [tilespmem:$0x4E0]  }
0x34: {  	v25 =	vld [tilespmem:$0x60]  }
0x35: {  	v26 =	vld [tilespmem:$0x460]  }
0x36: {  	v27 =	vld [tilespmem:$0xE0]  }
0x37: {  	v28 =	vld [tilespmem:$0x4F0]  }
0x38: {  	v29 =	vld [tilespmem:$0x70]  }
0x39: {  	v30 =	vld [tilespmem:$0x470]  }
0x3a: {  	v31 =	vld [tilespmem:$0xF0]  }
0x3b: {  	v32 =	vld [tilespmem:$0x580]  }
0x3c: {  	v33 =	vld [tilespmem:$0x100]  }
0x3d: {  	v34 =	vld [tilespmem:$0x500]  }
0x3e: {  	v35 =	vld [tilespmem:$0x180]  }
0x3f: {  	v36 =	vld [tilespmem:$0x590]  }
0x40: {  	v37 =	vld [tilespmem:$0x110]  }
0x41: {  	v38 =	vld [tilespmem:$0x510]  }
0x42: {  	v39 =	vld [tilespmem:$0x190]  }
0x43: {  	v40 =	vld [tilespmem:$0x5A0]  }
0x44: {  	v41 =	vld [tilespmem:$0x120]  }
0x45: {  	v42 =	vld [tilespmem:$0x520]  }
0x46: {  	v43 =	vld [tilespmem:$0x1A0]  }
0x47: {  	v44 =	vld [tilespmem:$0x5B0]  }
0x48: {  	v45 =	vld [tilespmem:$0x130]  }
0x49: {  	v46 =	vld [tilespmem:$0x530]  }
0x4a: {  	v47 =	vld [tilespmem:$0x1B0]  }
0x4b: {  	v48 =	vld [tilespmem:$0x5C0]  }
0x4c: {  	v49 =	vld [tilespmem:$0x140]  }
0x4d: {  	v50 =	vld [tilespmem:$0x540]  }
0x4e: {  	v51 =	vld [tilespmem:$0x1C0]  }
0x4f: {  	v52 =	vld [tilespmem:$0x5D0]  }
0x50: {  	v53 =	vld [tilespmem:$0x150]  }
0x51: {  	v54 =	vld [tilespmem:$0x550]  }
0x52: {  	v55 =	vld [tilespmem:$0x1D0]  }
0x53: {  	v56 =	vld [tilespmem:$0x5E0]  }
0x54: {  	v57 =	vld [tilespmem:$0x160]  }
0x55: {  	v58 =	vld [tilespmem:$0x560]  }
0x56: {  	v62 =	vld [tilespmem:$0x570]  }
0x57: {  	v59 =	vld [tilespmem:$0x1E0]  }
0x58: {  	v60 =	vld [tilespmem:$0x5F0]  }
0x59: {  	v61 =	vld [tilespmem:$0x170]  }
0x5a: {  	v63 =	vld [tilespmem:$0x1F0]  }
0x5b: {  	[tilespmem:$0x1FFA0] =	vst v62;
	v62 =	vld [tilespmem:$0x680]  }
0x5c: {  	v0 =	vsub.f32 v0, v1;
	v1 =	vld [tilespmem:$0x210]  }
0x5d: {  	v2 =	vsub.f32 v2, v3;
	v3 =	vld [tilespmem:$0x610]  }
0x5e: {  	v9 =	vsub.f32 v8, v9;
	v8 =	vld [tilespmem:$0x2A0]  }
0x5f: {  	v13 =	vsub.f32 v12, v13;
	v12 =	vld [tilespmem:$0x2B0]  }
0x60: {  	v15 =	vsub.f32 v14, v15;
	v14 =	vld [tilespmem:$0x240]  }
0x61: {  	v17 =	vsub.f32 v16, v17;
	v16 =	vld [tilespmem:$0x2C0]  }
0x62: {  	v19 =	vsub.f32 v18, v19;
	v18 =	vld [tilespmem:$0x250]  }
0x63: {  	v23 =	vsub.f32 v22, v23;
	v22 =	vld [tilespmem:$0x260];
	[tilespmem:$0x800] =	vst v0  }
0x64: {  	v25 =	vsub.f32 v24, v25;
	v24 =	vld [tilespmem:$0x2E0];
	[tilespmem:$0xA00] =	vst v2  }
0x65: {  	v21 =	vsub.f32 v20, v21;
	v27 =	vsub.f32 v26, v27;
	v26 =	vld [tilespmem:$0x270];
	[tilespmem:$0x820] =	vst v9  }
0x66: {  	v31 =	vsub.f32 v30, v31;
	v30 =	vsub.f32 v44, v45;
	v45 =	vld [tilespmem:$0x390];
	[tilespmem:$0x830] =	vst v13  }
0x67: {  	v33 =	vsub.f32 v32, v33;
	v32 =	vsub.f32 v48, v49;
	v49 =	vld [tilespmem:$0x320];
	[tilespmem:$0xA30] =	vst v15  }
0x68: {  	v35 =	vsub.f32 v34, v35;
	v34 =	vsub.f32 v52, v53;
	v53 =	vld [tilespmem:$0x3A0];
	[tilespmem:$0x840] =	vst v17  }
0x69: {  	v37 =	vsub.f32 v36, v37;
	v36 =	vsub.f32 v56, v57;
	v57 =	vld [tilespmem:$0x330];
	[tilespmem:$0xA40] =	vst v19  }
0x6a: {  	v0 =	vsub.f32 v4, v5;
	v4 =	vld [tilespmem:$0x290];
	[tilespmem:$0x850] =	vst v21  }
0x6b: {  	v5 =	vld [tilespmem:$0x6A0];
	[tilespmem:$0xA50] =	vst v23  }
0x6c: {  	v29 =	vsub.f32 v28, v29;
	v9 =	vld [tilespmem:$0x6B0];
	[tilespmem:$0x860] =	vst v25  }
0x6d: {  	v13 =	vld [tilespmem:$0x6C0];
	[tilespmem:$0xA60] =	vst v27  }
0x6e: {  	v15 =	vld [tilespmem:$0x640];
	[tilespmem:$0x870] =	vst v29  }
0x6f: {  	v17 =	vld [tilespmem:$0x6D0];
	[tilespmem:$0xA70] =	vst v31  }
0x70: {  	v19 =	vld [tilespmem:$0x650];
	[tilespmem:$0x880] =	vst v33  }
0x71: {  	v28 =	vsub.f32 v40, v41;
	[tilespmem:$0xA80] =	vst v35;
	v21 =	vld [tilespmem:$0x6E0]  }
0x72: {  	[tilespmem:$0x890] =	vst v37;
	v23 =	vld [tilespmem:$0x660]  }
0x73: {  	[tilespmem:$0x8A0] =	vst v28;
	v25 =	vld [tilespmem:$0x6F0]  }
0x74: {  	[tilespmem:$0x8B0] =	vst v30;
	v28 =	vld [tilespmem:$0x2F0]  }
0x75: {  	[tilespmem:$0x8C0] =	vst v32;
	v30 =	vld [tilespmem:$0x300]  }
0x76: {  	[tilespmem:$0x8D0] =	vst v34;
	v32 =	vld [tilespmem:$0x380]  }
0x77: {  	v27 =	vsub.f32 v38, v39;
	[tilespmem:$0x8E0] =	vst v36;
	v39 =	vld [tilespmem:$0x1FFA0]  }
0x78: {  	v34 =	vld [tilespmem:$0x310];
	[tilespmem:$0x810] =	vst v0  }
0x79: {  	v29 =	vsub.f32 v42, v43;
	v31 =	vsub.f32 v46, v47;
	v47 =	vld [tilespmem:$0x7A0];
	[tilespmem:$0xA90] =	vst v27  }
0x7a: {  	[tilespmem:$0x1FFB0] =	vst v62;
	v62 =	vld [tilespmem:$0x200]  }
0x7b: {  	v33 =	vsub.f32 v50, v51;
	v51 =	vld [tilespmem:$0x720];
	[tilespmem:$0xAA0] =	vst v29  }
0x7c: {  	v35 =	vsub.f32 v54, v55;
	v55 =	vld [tilespmem:$0x7B0];
	[tilespmem:$0xAB0] =	vst v31  }
0x7d: {  	v37 =	vsub.f32 v58, v59;
	v59 =	vld [tilespmem:$0x730];
	[tilespmem:$0xAC0] =	vst v33  }
0x7e: {  	v38 =	vsub.f32 v60, v61;
	v61 =	vld [tilespmem:$0x3B0];
	[tilespmem:$0xAD0] =	vst v35  }
0x7f: {  	[tilespmem:$0x1FFC0] =	vst v62;
	v62 =	vld [tilespmem:$0x600]  }
0x80: {  	v27 =	vld [tilespmem:$0x670];
	[tilespmem:$0xAE0] =	vst v37;
	v2 =	vsub.f32 v39, v63  }
0x81: {  	v29 =	vld [tilespmem:$0x780];
	[tilespmem:$0x8F0] =	vst v38;
	v46 =	vsub.f32 v3, v4  }
0x82: {  	v31 =	vld [tilespmem:$0x700];
	[tilespmem:$0xAF0] =	vst v2  }
0x83: {  	v33 =	vld [tilespmem:$0x790];
	v56 =	vsub.f32 v13, v14;
	[tilespmem:$0xB10] =	vst v46  }
0x84: {  	v58 =	vsub.f32 v15, v16;
	[tilespmem:$0x1FFD0] =	vst v62;
	v62 =	vld [tilespmem:$0x280]  }
0x85: {  	v35 =	vld [tilespmem:$0x710];
	v60 =	vsub.f32 v17, v18;
	[tilespmem:$0x940] =	vst v56  }
0x86: {  	v37 =	vld [tilespmem:$0x7D0];
	v21 =	vsub.f32 v21, v22;
	[tilespmem:$0xB40] =	vst v58  }
0x87: {  	v40 =	vld [tilespmem:$0x1FFB0];
	[tilespmem:$0x950] =	vst v60  }
0x88: {  	v23 =	vsub.f32 v23, v24;
	[tilespmem:$0x960] =	vst v21;
	v41 =	vld [tilespmem:$0x1FFC0]  }
0x89: {  	v25 =	vsub.f32 v25, v26;
	[tilespmem:$0x1FFE0] =	vst v62;
	v62 =	vld [tilespmem:$0x690]  }
0x8a: {  	[tilespmem:$0xB60] =	vst v23;
	v36 =	vsub.f32 v27, v28;
	v42 =	vld [tilespmem:$0x1FFD0]  }
0x8b: {  	[tilespmem:$0x970] =	vst v25;
	v38 =	vsub.f32 v29, v30;
	v43 =	vld [tilespmem:$0x1FFE0]  }
0x8c: {  	v63 =	vld [tilespmem:$0x7C0];
	[tilespmem:$0xB70] =	vst v36  }
0x8d: {  	v22 =	vld [tilespmem:$0x340];
	[tilespmem:$0x980] =	vst v38;
	v0 =	vsub.f32 v40, v41  }
0x8e: {  	v40 =	vsub.f32 v31, v32;
	[tilespmem:$0x1FFF0] =	vst v62;
	v62 =	vsub.f32 v6, v7;
	v6 =	vld [tilespmem:$0x220]  }
0x8f: {  	[tilespmem:$0x900] =	vst v0;
	v7 =	vld [tilespmem:$0x620]  }
0x90: {  	[tilespmem:$0xB80] =	vst v40;
	v2 =	vsub.f32 v42, v43;
	v44 =	vld [tilespmem:$0x1FFF0]  }
0x91: {  	v24 =	vld [tilespmem:$0x740];
	v42 =	vsub.f32 v33, v34;
	[tilespmem:$0xA10] =	vst v62  }
0x92: {  	v26 =	vld [tilespmem:$0x3C0];
	v62 =	vsub.f32 v10, v11;
	[tilespmem:$0xB00] =	vst v2  }
0x93: {  	v39 =	vld [tilespmem:$0x350];
	[tilespmem:$0x990] =	vst v42;
	v48 =	vsub.f32 v5, v6  }
0x94: {  	v46 =	vld [tilespmem:$0x360];
	[tilespmem:$0xA20] =	vst v62;
	v50 =	vsub.f32 v7, v8  }
0x95: {  	v56 =	vld [tilespmem:$0x770];
	v0 =	vsub.f32 v44, v1;
	[tilespmem:$0x920] =	vst v48  }
0x96: {  	v58 =	vld [tilespmem:$0x3F0];
	v1 =	vsub.f32 v35, v45;
	[tilespmem:$0xB20] =	vst v50  }
0x97: {  	v41 =	vld [tilespmem:$0x750];
	v45 =	vsub.f32 v47, v49;
	[tilespmem:$0x910] =	vst v0  }
0x98: {  	v10 =	vld [tilespmem:$0x230];
	v47 =	vsub.f32 v51, v53;
	[tilespmem:$0xB90] =	vst v1  }
0x99: {  	v11 =	vld [tilespmem:$0x630];
	v49 =	vsub.f32 v55, v57;
	[tilespmem:$0x9A0] =	vst v45  }
0x9a: {  	v43 =	vld [tilespmem:$0x3D0];
	v51 =	vsub.f32 v59, v61;
	[tilespmem:$0xBA0] =	vst v47  }
0x9b: {  	v62 =	vld [tilespmem:$0x2D0];
	v53 =	vsub.f32 v63, v22;
	[tilespmem:$0x9B0] =	vst v49  }
0x9c: {  	v44 =	vld [tilespmem:$0x7E0];
	v55 =	vsub.f32 v24, v26;
	[tilespmem:$0xBB0] =	vst v51  }
0x9d: {  	v52 =	vsub.f32 v9, v10;
	v48 =	vld [tilespmem:$0x760];
	[tilespmem:$0x9C0] =	vst v53  }
0x9e: {  	v54 =	vsub.f32 v11, v12;
	v50 =	vld [tilespmem:$0x3E0];
	[tilespmem:$0xBC0] =	vst v55  }
0x9f: {  	v57 =	vsub.f32 v37, v39;
	[tilespmem:$0x930] =	vst v52;
	v52 =	vld [tilespmem:$0x7F0]  }
0xa0: {  	v59 =	vsub.f32 v41, v43;
	[tilespmem:$0xB30] =	vst v54;
	v54 =	vld [tilespmem:$0x370]  }
0xa1: {  	v63 =	vsub.f32 v56, v58;
	[tilespmem:$0x9D0] =	vst v57  }
0xa2: {  	[tilespmem:$0xBD0] =	vst v59;
	v62 =	vsub.f32 v19, v62  }
0xa3: {  	[tilespmem:$0xBF0] =	vst v63;
	v60 =	vsub.f32 v44, v46  }
0xa4: {  	[tilespmem:$0xB50] =	vst v62;
	v61 =	vsub.f32 v48, v50  }
0xa5: {  	[tilespmem:$0x9E0] =	vst v60;
	v62 =	vsub.f32 v52, v54  }
0xa6: {  	[tilespmem:$0xBE0] =	vst v61  }
0xa7: {  	[tilespmem:$0x9F0] =	vst v62  }
0xa8: {  	[hbm4b:s6+s12] =	stream.strided.scatter [tilespmem:s13], [sflag:$0x3], $0x200, s10, s12, $0x38;
	[tilespmem:$0xC00] =	vst v63  }
0xa9: {  	_ =	swait.ge [sflag:s14], $0x200  }
0xaa: {  	p0 =	sne.s32 s8, $0x1;
	[sflag:s14] =	ssyncset.done $0x0  }
.Ltmp0:
0xab: {  	[sflag:s14] =	ssyncadd.s32 $0xFFFFFE00;
	(pc) =	sbr.rel @p0 .LBB2_1-.Ltmp0, $4  }
0xac: {  	[hbm4b:s7+s12] =	stream.strided.scatter [tilespmem:s15], [sflag:$0x3], $0x200, s10, s12, $0x38;
	[tilespmem:$0xC00] =	vst v63  }
0xad: {  	_ =	swait.ge [sflag:s14], $0x200  }
0xae: {  	[sflag:s14] =	ssyncset.done $0x0  }
0xaf: {  	s8 =	sadd.s32 $0xFFFFFFFF, s8;
	[sflag:s14] =	ssyncadd.s32 $0xFFFFFE00  }
0xb0: {  	_ =	sfence.sel $0x180000  }
0xb1: {  	[bflag:$0x0] =	sbarrier.arrive $0xFFFF  }
0xb2: {  	p0 =	sne.s32 s1, $0x0;
	_ =	strace $0x90000047  }
0xb3: {  	s0 =	sadd.s32 @!p0 $0x100000, s0;
	[bflag:$0x2] =	sbarrier.arrive $0xFFFF  }
0xb4: {  	[sflag:s0] =	ssyncadd.tile.s32 @!p0 $0x1;
	_ =	shalt  }
.Lfunc_end2:
_tile_overlayer_lowered:
.L_overlay_start_2:
0xb5: {  	(tag) =	ssettag $0x2  }
0xb6: {  	s0 =	rddreg [dreg:$0x0];
	s2 =	stileid.u32  }
0xb7: {  	s1 =	rddreg [dreg:$0x1];
	p0 =	sne.s32 s2, $0x0  }
0xb8: {  	s3 =	rddreg [dreg:$0x2];
	[bflag:$0x3] =	sbarrier.arrive $0xFFFF;
	s2 =	simm.s32 @!p0 $0x1C03  }
0xb9: {  	[timem:s3], [sflag:s2] =	dma.local @!p0 [hbm:s0], s1  }
0xba: {  	s0 =	simm.s32 @!p0 $0x3  }
0xbb: {  	_ =	swait.ge @!p0 [sflag:s0], s1  }
0xbc: {  	s1 =	ssub.s32 @!p0 $0x0, s1;
	[sflag:s0] =	ssyncset.done @!p0 $0x0  }
0xbd: {  	[sflag:s0] =	ssyncadd.s32 @!p0 s1  }
0xbe: {  	[bflag:$0x3] =	sbarrier.arrive $0xFFFF  }
0xbf: {  	_ =	shalt  }

</sc_bundles>
